<compile_context>
chip_gen: v7x
topology: tpu7x:2x2x1
jax: 0.10.2.dev20260603
libtpu: 0.0.44.dev20260713+nightly
codegen_flags: <defaults>
</compile_context>

<pallas_src>
import functools

import jax
import jax.numpy as jnp
from jax import lax
from jax.experimental import pallas as pl
from jax.experimental.pallas import tpu as pltpu
from jax.experimental.pallas import tpu_sc as plsc

N_NODES = 10000
N_EDGES = 320000
D_FEAT = 128
D_HID = 256
N_CLASS = 47

NC = 2
NS = 16
NW = NC * NS
EC = 80
ET = N_EDGES // NW
PHASE_E = 2000
PCT = PHASE_E // EC
NPH = N_EDGES // PHASE_E
STRIPE_STEP = 624
STRIPE_LEN = 640


_MESH = plsc.VectorSubcoreMesh(
    core_axis_name="c", subcore_axis_name="s", num_cores=NC, num_subcores=NS)


def _pipeline(tables, src_v, dst_v, acc, rows, gsems, ssem, z_feat, ct,
              hist=None):
  nb = len(rows)

  def gstart(i, b, sb):
    idx = src_v.at[i]
    if len(tables) == 1:
      pltpu.async_copy(tables[0].at[idx], rows[b], gsems[sb])
    else:
      c = lax.axis_index("c")

      @pl.when(c == 0)
      def _():
        pltpu.async_copy(tables[0].at[idx], rows[b], gsems[sb])

      @pl.when(c == 1)
      def _():
        pltpu.async_copy(tables[1].at[idx], rows[b], gsems[sb])

  ns = nb - 1

  def drain(sem, buf):
    pltpu.make_async_copy(z_feat.at[pl.ds(0, EC)], buf, sem).wait()

  def step(i, b, sb):
    @pl.when(i > 0)
    def _():
      drain(ssem, rows[b])
    if hist is not None:
      ones = jnp.ones((16,), jnp.float32)
      for k in range(EC // 16):
        plsc.addupdate_scatter(hist, [dst_v[i, pl.ds(k * 16, 16)]], ones)
    drain(gsems[sb], rows[b])
    @pl.when(i + nb - 1 < ct)
    def _():
      gstart(i + nb - 1, (b + nb - 1) % nb, sb)
    pltpu.async_copy(rows[b], acc.at[dst_v.at[i]], ssem, add=True)

  for k in range(nb - 1):
    gstart(k, k, k % ns)

  unroll = nb * ns

  def group(j, carry):
    for k in range(unroll):
      step(unroll * j + k, k % nb, k % ns)
    return carry

  lax.fori_loop(0, ct // unroll, group, 0)
  for k in range(ct - ct % unroll, ct):
    step(k, k % nb, k % ns)
  drain(ssem, rows[0])


@functools.partial(
    pl.kernel, mesh=_MESH,
    out_type=(jax.ShapeDtypeStruct((NC * N_NODES, D_FEAT), jnp.float32),
              jax.ShapeDtypeStruct((NW, N_NODES), jnp.float32)),
    compiler_params=pltpu.CompilerParams(needs_layout_passes=False),
    scratch_types=[
        pltpu.VMEM((PCT, EC), jnp.int32),
        pltpu.VMEM((PCT, EC), jnp.int32),
        pltpu.VMEM((EC, D_FEAT), jnp.float32),
        pltpu.VMEM((EC, D_FEAT), jnp.float32),
        pltpu.VMEM((EC, D_FEAT), jnp.float32),
        pltpu.VMEM((N_NODES,), jnp.float32),
        pltpu.VMEM_SHARED((N_NODES, D_FEAT), jnp.float32),
        pltpu.SemaphoreType.DMA,
        pltpu.SemaphoreType.DMA,
        pltpu.SemaphoreType.DMA,
    ])
def _sc_agg0(table, edges_hbm, z_feat, z1d, out_hbm, cnt_out_hbm,
             src_v, dst_v, rows0, rows1, rows2, hist_v, acc, g0, g1, ssem):
  c = lax.axis_index("c")
  s = lax.axis_index("s")
  wid = c * NS + s

  pltpu.sync_copy(z1d, hist_v)
  stripe = pl.ds(s * STRIPE_STEP, STRIPE_LEN)
  pltpu.sync_copy(z_feat.at[stripe], acc.at[stripe])
  plsc.subcore_barrier()

  def phase(p, carry):
    pltpu.sync_copy(edges_hbm.at[1, 5 * wid + p], src_v)
    pltpu.sync_copy(edges_hbm.at[0, 5 * wid + p], dst_v)
    _pipeline((table,), src_v, dst_v, acc, (rows0, rows1, rows2),
              (g0, g1), ssem, z_feat, PCT, hist=hist_v)
    return carry

  lax.fori_loop(0, 5, phase, 0)
  plsc.subcore_barrier()

  out_rows = pl.ds(c * N_NODES + s * STRIPE_STEP, STRIPE_LEN)
  pltpu.sync_copy(acc.at[stripe], out_hbm.at[out_rows])
  pltpu.sync_copy(hist_v, cnt_out_hbm.at[wid])


@functools.partial(
    pl.kernel, mesh=_MESH,
    out_type=jax.ShapeDtypeStruct((NC * N_NODES, D_FEAT), jnp.float32),
    scratch_types=[
        pltpu.VMEM((PCT, EC), jnp.int32),
        pltpu.VMEM((PCT, EC), jnp.int32),
        pltpu.VMEM((EC, D_FEAT), jnp.float32),
        pltpu.VMEM((EC, D_FEAT), jnp.float32),
        pltpu.VMEM((EC, D_FEAT), jnp.float32),
        pltpu.VMEM_SHARED((N_NODES, D_FEAT), jnp.float32),
        pltpu.SemaphoreType.DMA,
        pltpu.SemaphoreType.DMA,
        pltpu.SemaphoreType.DMA,
    ])
def _sc_agg1(table_a, table_b, edges_hbm, z_feat, out_hbm,
             src_v, dst_v, rows0, rows1, rows2, acc, g0, g1, ssem):
  c = lax.axis_index("c")
  s = lax.axis_index("s")

  stripe = pl.ds(s * STRIPE_STEP, STRIPE_LEN)
  pltpu.sync_copy(z_feat.at[stripe], acc.at[stripe])
  plsc.subcore_barrier()

  def phase(p, carry):
    pltpu.sync_copy(edges_hbm.at[1, 10 * s + p], src_v)
    pltpu.sync_copy(edges_hbm.at[0, 10 * s + p], dst_v)
    _pipeline((table_a, table_b), src_v, dst_v, acc,
              (rows0, rows1, rows2), (g0, g1), ssem, z_feat, PCT)
    return carry

  lax.fori_loop(0, 10, phase, 0)
  plsc.subcore_barrier()

  out_rows = pl.ds(c * N_NODES + s * STRIPE_STEP, STRIPE_LEN)
  pltpu.sync_copy(acc.at[stripe], out_hbm.at[out_rows])


def _tc_cnt_reduce(cntp):
  def body(cntp_r, out_r):
    out_r[:] = jnp.sum(cntp_r[:], axis=0, keepdims=True)
  return pl.pallas_call(
      body,
      out_shape=jax.ShapeDtypeStruct((1, N_NODES), jnp.float32),
  )(cntp)


_BLK = 1000
_GRID = N_NODES // _BLK


def _dense1_body(x, aggp, cnt, wn, ws, b, g, be, h1a, h1b):
  agg = aggp[0] + aggp[1]
  mean = agg / jnp.maximum(cnt, 1.0)
  pre = (jnp.dot(mean, wn[:], preferred_element_type=jnp.float32)
         + jnp.dot(x[:], ws[:], preferred_element_type=jnp.float32) + b[:])
  mu = jnp.mean(pre, axis=-1, keepdims=True)
  var = jnp.mean((pre - mu) ** 2, axis=-1, keepdims=True)
  h = (pre - mu) * lax.rsqrt(var + 1e-5) * g[:] + be[:]
  h = jnp.maximum(h, 0.0)
  h1a[:] = h[:, :D_FEAT]
  h1b[:] = h[:, D_FEAT:]


def _tc_dense1(x, aggp, cnt, wn, ws, b, g, be):
  def body(x_r, aggp_r, cnt_r, wn_r, ws_r, b_r, g_r, be_r, h1a_r, h1b_r):
    _dense1_body(x_r[:], aggp_r[:], cnt_r[:], wn_r, ws_r, b_r, g_r, be_r,
                 h1a_r, h1b_r)
  return pl.pallas_call(
      body,
      grid=(_GRID,),
      in_specs=[
          pl.BlockSpec((_BLK, D_FEAT), lambda i: (i, 0)),
          pl.BlockSpec((NC, _BLK, D_FEAT), lambda i: (0, i, 0)),
          pl.BlockSpec((_BLK, 1), lambda i: (i, 0)),
          pl.BlockSpec((D_FEAT, D_HID), lambda i: (0, 0)),
          pl.BlockSpec((D_FEAT, D_HID), lambda i: (0, 0)),
          pl.BlockSpec((1, D_HID), lambda i: (0, 0)),
          pl.BlockSpec((1, D_HID), lambda i: (0, 0)),
          pl.BlockSpec((1, D_HID), lambda i: (0, 0)),
      ],
      out_specs=[
          pl.BlockSpec((_BLK, D_FEAT), lambda i: (i, 0)),
          pl.BlockSpec((_BLK, D_FEAT), lambda i: (i, 0)),
      ],
      out_shape=[
          jax.ShapeDtypeStruct((N_NODES, D_FEAT), jnp.float32),
          jax.ShapeDtypeStruct((N_NODES, D_FEAT), jnp.float32),
      ],
  )(x, aggp, cnt, wn, ws, b, g, be)


def _tc_dense2(h1a, h1b, agg1, cnt, wn, ws, b, g, be, fcw, fcb):
  def body(h1a_r, h1b_r, agg1_r, cnt_r, wn_r, ws_r, b_r, g_r,
           be_r, fcw_r, fcb_r, out_r):
    h1 = jnp.concatenate([h1a_r[:], h1b_r[:]], axis=1)
    agg = jnp.concatenate([agg1_r[0], agg1_r[1]], axis=1)
    mean = agg / jnp.maximum(cnt_r[:], 1.0)
    pre = (jnp.dot(mean, wn_r[:], preferred_element_type=jnp.float32)
           + jnp.dot(h1, ws_r[:], preferred_element_type=jnp.float32)
           + b_r[:])
    mu = jnp.mean(pre, axis=-1, keepdims=True)
    var = jnp.mean((pre - mu) ** 2, axis=-1, keepdims=True)
    h = (pre - mu) * lax.rsqrt(var + 1e-5) * g_r[:] + be_r[:]
    h = jnp.maximum(h, 0.0)
    res = jnp.dot(h, fcw_r[:], preferred_element_type=jnp.float32) + fcb_r[:]
    out_r[:] = res

  return pl.pallas_call(
      body,
      grid=(_GRID,),
      in_specs=[
          pl.BlockSpec((_BLK, D_FEAT), lambda i: (i, 0)),
          pl.BlockSpec((_BLK, D_FEAT), lambda i: (i, 0)),
          pl.BlockSpec((NC, _BLK, D_FEAT), lambda i: (0, i, 0)),
          pl.BlockSpec((_BLK, 1), lambda i: (i, 0)),
          pl.BlockSpec((D_HID, D_HID), lambda i: (0, 0)),
          pl.BlockSpec((D_HID, D_HID), lambda i: (0, 0)),
          pl.BlockSpec((1, D_HID), lambda i: (0, 0)),
          pl.BlockSpec((1, D_HID), lambda i: (0, 0)),
          pl.BlockSpec((1, D_HID), lambda i: (0, 0)),
          pl.BlockSpec((D_HID, N_CLASS), lambda i: (0, 0)),
          pl.BlockSpec((1, N_CLASS), lambda i: (0, 0)),
      ],
      out_specs=pl.BlockSpec((_BLK, N_CLASS), lambda i: (i, 0)),
      out_shape=jax.ShapeDtypeStruct((N_NODES, N_CLASS), jnp.float32),
  )(h1a, h1b, agg1, cnt, wn, ws, b, g, be, fcw, fcb)


def kernel(x, edge_index, W_nei0, W_self0, b0, g0, be0,
           W_nei1, W_self1, b1, g1, be1, fcW, fcb):
  edges = edge_index.reshape(2, NPH, PCT, EC)
  z_feat = jnp.zeros((N_NODES, D_FEAT), jnp.float32)
  z1d = jnp.zeros((N_NODES,), jnp.float32)

  agg0p, cntp = _sc_agg0(x, edges, z_feat, z1d)
  agg0p = agg0p.reshape(NC, N_NODES, D_FEAT)
  cnt = _tc_cnt_reduce(cntp).reshape(N_NODES, 1)

  h1a, h1b = _tc_dense1(x, agg0p, cnt, W_nei0, W_self0,
                        b0.reshape(1, D_HID), g0.reshape(1, D_HID),
                        be0.reshape(1, D_HID))

  agg1 = _sc_agg1(h1a, h1b, edges, z_feat).reshape(NC, N_NODES, D_FEAT)

  return _tc_dense2(h1a, h1b, agg1, cnt, W_nei1, W_self1,
                    b1.reshape(1, D_HID), g1.reshape(1, D_HID),
                    be1.reshape(1, D_HID), fcW, fcb.reshape(1, N_CLASS))

# --- scband reference (transcript-rebuilt; emitter-appended) ---
"""Pipeline reference for scband-homo-gnnmodel-22582938042820 (READ-ONLY COPY).

The authoritative reference and input builder live on the scoring server;
editing this copy changes nothing except your own understanding.
"""

import jax, jax.numpy as jnp
import numpy as np

N_NODES = 10000
N_EDGES = 320000
D_FEAT = 128
D_HID = 256
N_CLASS = 47


def setup_inputs(seed: int = 0) -> dict:
    key = jax.random.key(seed)
    ks = jax.random.split(key, 16)
    x = jax.random.normal(ks[0], (N_NODES, D_FEAT), dtype=jnp.float32)
    edge_index = jax.random.randint(ks[1], (2, N_EDGES), 0, N_NODES, dtype=jnp.int32)
    # SAGE layer 0: in=D_FEAT -> out=D_HID
    s0 = 1.0 / np.sqrt(D_FEAT)
    W_nei0 = jax.random.uniform(ks[2], (D_FEAT, D_HID), minval=-s0, maxval=s0, dtype=jnp.float32)
    W_self0 = jax.random.uniform(ks[3], (D_FEAT, D_HID), minval=-s0, maxval=s0, dtype=jnp.float32)
    b0 = jnp.zeros((D_HID,), dtype=jnp.float32)
    g0 = jnp.ones((D_HID,), dtype=jnp.float32)
    be0 = jnp.zeros((D_HID,), dtype=jnp.float32)
    # SAGE layer 1: in=D_HID -> out=D_HID
    s1 = 1.0 / np.sqrt(D_HID)
    W_nei1 = jax.random.uniform(ks[4], (D_HID, D_HID), minval=-s1, maxval=s1, dtype=jnp.float32)
    W_self1 = jax.random.uniform(ks[5], (D_HID, D_HID), minval=-s1, maxval=s1, dtype=jnp.float32)
    b1 = jnp.zeros((D_HID,), dtype=jnp.float32)
    g1 = jnp.ones((D_HID,), dtype=jnp.float32)
    be1 = jnp.zeros((D_HID,), dtype=jnp.float32)
    # final classifier fc: D_HID -> N_CLASS
    fcW = jax.random.uniform(ks[6], (D_HID, N_CLASS), minval=-s1, maxval=s1, dtype=jnp.float32)
    fcb = jnp.zeros((N_CLASS,), dtype=jnp.float32)
    return {
        "x": x, "edge_index": edge_index,
        "W_nei0": W_nei0, "W_self0": W_self0, "b0": b0, "g0": g0, "be0": be0,
        "W_nei1": W_nei1, "W_self1": W_self1, "b1": b1, "g1": g1, "be1": be1,
        "fcW": fcW, "fcb": fcb,
    }


def _sage_conv(h, dst, src, W_nei, W_self, b, num_nodes):
    # PyG SAGEConv (mean aggregation): out_i = W_nei * mean_{j in N(i)} h_j + W_self * h_i + b
    msgs = jnp.take(h, src, axis=0)  # gather source node feats per edge
    agg = jax.ops.segment_sum(msgs, dst, num_segments=num_nodes)
    cnt = jax.ops.segment_sum(jnp.ones((src.shape[0], 1), dtype=h.dtype), dst, num_segments=num_nodes)
    mean = agg / jnp.maximum(cnt, 1.0)
    return mean @ W_nei + h @ W_self + b


def _layer_norm(h, g, be, eps=1e-5):
    mu = jnp.mean(h, axis=-1, keepdims=True)
    var = jnp.var(h, axis=-1, keepdims=True)
    return (h - mu) / jnp.sqrt(var + eps) * g + be


def reference(x, edge_index, W_nei0, W_self0, b0, g0, be0, W_nei1, W_self1, b1, g1, be1, fcW, fcb):
    # HomoGNNModel.gnn_model_fn core: per-layer SAGE message passing on sampled
    # subgraph (edge_index = [dst_lids; src_lids]), norm ('ln'), ReLU, then fc.
    # Dropouts are identity in eval; wholegraph gathers are replaced by the
    # provided gathered feature tensor x.
    dst = edge_index[0]
    src = edge_index[1]
    n = x.shape[0]
    h = _sage_conv(x, dst, src, W_nei0, W_self0, b0, n)
    h = _layer_norm(h, g0, be0)
    h = jax.nn.relu(h)
    h = _sage_conv(h, dst, src, W_nei1, W_self1, b1, n)
    h = _layer_norm(h, g1, be1)
    h = jax.nn.relu(h)
    out = h @ fcW + fcb
    return out

if __name__ == "__main__":
    import jax
    _d = setup_inputs()
    print(jax.jit(kernel)(*tuple(_d.values())))

</pallas_src>

<mosaic_0001>
#map = affine_map<(d0, d1) -> (0, 0)>
#map1 = affine_map<(d0, d1) -> (0, 0, 0, 0)>
module attributes {stable_mosaic.version = 14 : i64} {
  func.func @_sc_agg1(%arg0: i32, %arg1: i32, %arg2: memref<10000x128xf32, #tpu.memory_space<hbm>>, %arg3: memref<10000x128xf32, #tpu.memory_space<hbm>>, %arg4: memref<2x160x25x80xi32, #tpu.memory_space<hbm>>, %arg5: memref<10000x128xf32, #tpu.memory_space<hbm>>, %arg6: memref<20000x128xf32, #tpu.memory_space<hbm>>, %arg7: memref<25x80xi32, #tpu.memory_space<vmem>>, %arg8: memref<25x80xi32, #tpu.memory_space<vmem>>, %arg9: memref<80x128xf32, #tpu.memory_space<vmem>>, %arg10: memref<80x128xf32, #tpu.memory_space<vmem>>, %arg11: memref<80x128xf32, #tpu.memory_space<vmem>>, %arg12: memref<10000x128xf32, #tpu.memory_space<vmem_shared>>, %arg13: memref<!tpu.dma_semaphore, #tpu.memory_space<semaphore_mem>>, %arg14: memref<!tpu.dma_semaphore, #tpu.memory_space<semaphore_mem>>, %arg15: memref<!tpu.dma_semaphore, #tpu.memory_space<semaphore_mem>>) attributes {dimension_semantics = [#tpu.dimension_semantics<core_parallel>, #tpu.dimension_semantics<subcore_parallel>], iteration_bounds = array<i64: 2, 16>, scalar_prefetch = 0 : i64, scratch_operands = 9 : i64, tpu.core_type = #tpu.core_type<sc_vector_subcore>, window_params = [{transform_indices = #map}, {transform_indices = #map}, {transform_indices = #map1}, {transform_indices = #map}, {transform_indices = #map}]} {
    %mul3A = arith.constant 624 : i32
    %mul3A_0 = arith.muli %arg1, %mul3A : i32
    "tpu.region"() ({
      %run_scoped3A = tpu.sem_alloc : memref<!tpu.dma_semaphore, #tpu.memory_space<semaphore_mem>>
      %dma_start3A = arith.constant 0 : i32
      %dma_start3A_11 = tpu.memref_slice %arg12[%mul3A_0, %dma_start3A] : memref<10000x128xf32, #tpu.memory_space<vmem_shared>> -> memref<640x128xf32, #tpu.memory_space<vmem_shared>>
      %dma_start3A_12 = arith.constant 0 : i32
      %dma_start3A_13 = tpu.memref_slice %arg5[%mul3A_0, %dma_start3A_12] : memref<10000x128xf32, #tpu.memory_space<hbm>> -> memref<640x128xf32, #tpu.memory_space<hbm>>
      tpu.enqueue_dma source(%dma_start3A_13 : memref<640x128xf32, #tpu.memory_space<hbm>>) target(%dma_start3A_11 : memref<640x128xf32, #tpu.memory_space<vmem_shared>>) target_semaphore(%run_scoped3A : memref<!tpu.dma_semaphore, #tpu.memory_space<semaphore_mem>>)
      %dma_wait3A = arith.constant 0 : i32
      %dma_wait3A_14 = tpu.memref_slice %arg12[%mul3A_0, %dma_wait3A] : memref<10000x128xf32, #tpu.memory_space<vmem_shared>> -> memref<640x128xf32, #tpu.memory_space<vmem_shared>>
      %dma_wait3A_15 = arith.constant 0 : i32
      %dma_wait3A_16 = tpu.memref_slice %arg5[%mul3A_0, %dma_wait3A_15] : memref<10000x128xf32, #tpu.memory_space<hbm>> -> memref<640x128xf32, #tpu.memory_space<hbm>>
      tpu.wait_dma2 semaphore(%run_scoped3A : memref<!tpu.dma_semaphore, #tpu.memory_space<semaphore_mem>>) src(%dma_wait3A_16 : memref<640x128xf32, #tpu.memory_space<hbm>>) dst(%dma_wait3A_14 : memref<640x128xf32, #tpu.memory_space<vmem_shared>>)
      tpu.yield
    }) : () -> ()
    %barrier3A = arith.constant 0 : index
    tpu.barrier barrier_id(%barrier3A)
    %scan3A = arith.constant 0 : i32
    %scan3A_1 = arith.constant 0 : i32
    %scan3A_2 = arith.constant 10 : i32
    %scan3A_3 = arith.addi %scan3A_1, %scan3A_2 : i32
    %scan3A_4 = arith.constant 1 : i32
    scf.for %scan3A_11 = %scan3A_1 to %scan3A_3 step %scan3A_4  : i32 {
      %mul3A_12 = arith.constant 10 : i32
      %mul3A_13 = arith.muli %mul3A_12, %arg1 : i32
      %add3A_14 = arith.addi %mul3A_13, %scan3A_11 : i32
      %run_scoped3A = arith.constant 1 : i32
      "tpu.region"() ({
        %run_scoped3A_69 = tpu.sem_alloc : memref<!tpu.dma_semaphore, #tpu.memory_space<semaphore_mem>>
        %dma_start3A_70 = arith.constant 0 : i32
        %dma_start3A_71 = arith.constant 0 : i32
        %dma_start3A_72 = tpu.memref_slice %arg4[%run_scoped3A, %add3A_14, %dma_start3A_70, %dma_start3A_71] : memref<2x160x25x80xi32, #tpu.memory_space<hbm>> -> memref<1x1x25x80xi32, #tpu.memory_space<hbm>>
        %dma_start3A_73 = tpu.memref_squeeze %dma_start3A_72 : memref<1x1x25x80xi32, #tpu.memory_space<hbm>> -> memref<25x80xi32, #tpu.memory_space<hbm>>
        %dma_start3A_74 = arith.constant 0 : i32
        %dma_start3A_75 = arith.constant 0 : i32
        %dma_start3A_76 = tpu.memref_slice %arg4[%run_scoped3A, %add3A_14, %dma_start3A_74, %dma_start3A_75] : memref<2x160x25x80xi32, #tpu.memory_space<hbm>> -> memref<1x1x25x80xi32, #tpu.memory_space<hbm>>
        %dma_start3A_77 = tpu.memref_squeeze %dma_start3A_76 : memref<1x1x25x80xi32, #tpu.memory_space<hbm>> -> memref<25x80xi32, #tpu.memory_space<hbm>>
        tpu.enqueue_dma source(%dma_start3A_77 : memref<25x80xi32, #tpu.memory_space<hbm>>) target(%arg7 : memref<25x80xi32, #tpu.memory_space<vmem>>) target_semaphore(%run_scoped3A_69 : memref<!tpu.dma_semaphore, #tpu.memory_space<semaphore_mem>>)
        %dma_wait3A_78 = arith.constant 0 : i32
        %dma_wait3A_79 = arith.constant 0 : i32
        %dma_wait3A_80 = tpu.memref_slice %arg4[%run_scoped3A, %add3A_14, %dma_wait3A_78, %dma_wait3A_79] : memref<2x160x25x80xi32, #tpu.memory_space<hbm>> -> memref<1x1x25x80xi32, #tpu.memory_space<hbm>>
        %dma_wait3A_81 = tpu.memref_squeeze %dma_wait3A_80 : memref<1x1x25x80xi32, #tpu.memory_space<hbm>> -> memref<25x80xi32, #tpu.memory_space<hbm>>
        %dma_wait3A_82 = arith.constant 0 : i32
        %dma_wait3A_83 = arith.constant 0 : i32
        %dma_wait3A_84 = tpu.memref_slice %arg4[%run_scoped3A, %add3A_14, %dma_wait3A_82, %dma_wait3A_83] : memref<2x160x25x80xi32, #tpu.memory_space<hbm>> -> memref<1x1x25x80xi32, #tpu.memory_space<hbm>>
        %dma_wait3A_85 = tpu.memref_squeeze %dma_wait3A_84 : memref<1x1x25x80xi32, #tpu.memory_space<hbm>> -> memref<25x80xi32, #tpu.memory_space<hbm>>
        tpu.wait_dma2 semaphore(%run_scoped3A_69 : memref<!tpu.dma_semaphore, #tpu.memory_space<semaphore_mem>>) src(%dma_wait3A_85 : memref<25x80xi32, #tpu.memory_space<hbm>>) dst(%arg7 : memref<25x80xi32, #tpu.memory_space<vmem>>)
        tpu.yield
      }) : () -> ()
      %mul3A_15 = arith.constant 10 : i32
      %mul3A_16 = arith.muli %mul3A_15, %arg1 : i32
      %add3A_17 = arith.addi %mul3A_16, %scan3A_11 : i32
      %run_scoped3A_18 = arith.constant 0 : i32
      "tpu.region"() ({
        %run_scoped3A_69 = tpu.sem_alloc : memref<!tpu.dma_semaphore, #tpu.memory_space<semaphore_mem>>
        %dma_start3A_70 = arith.constant 0 : i32
        %dma_start3A_71 = arith.constant 0 : i32
        %dma_start3A_72 = tpu.memref_slice %arg4[%run_scoped3A_18, %add3A_17, %dma_start3A_70, %dma_start3A_71] : memref<2x160x25x80xi32, #tpu.memory_space<hbm>> -> memref<1x1x25x80xi32, #tpu.memory_space<hbm>>
        %dma_start3A_73 = tpu.memref_squeeze %dma_start3A_72 : memref<1x1x25x80xi32, #tpu.memory_space<hbm>> -> memref<25x80xi32, #tpu.memory_space<hbm>>
        %dma_start3A_74 = arith.constant 0 : i32
        %dma_start3A_75 = arith.constant 0 : i32
        %dma_start3A_76 = tpu.memref_slice %arg4[%run_scoped3A_18, %add3A_17, %dma_start3A_74, %dma_start3A_75] : memref<2x160x25x80xi32, #tpu.memory_space<hbm>> -> memref<1x1x25x80xi32, #tpu.memory_space<hbm>>
        %dma_start3A_77 = tpu.memref_squeeze %dma_start3A_76 : memref<1x1x25x80xi32, #tpu.memory_space<hbm>> -> memref<25x80xi32, #tpu.memory_space<hbm>>
        tpu.enqueue_dma source(%dma_start3A_77 : memref<25x80xi32, #tpu.memory_space<hbm>>) target(%arg8 : memref<25x80xi32, #tpu.memory_space<vmem>>) target_semaphore(%run_scoped3A_69 : memref<!tpu.dma_semaphore, #tpu.memory_space<semaphore_mem>>)
        %dma_wait3A_78 = arith.constant 0 : i32
        %dma_wait3A_79 = arith.constant 0 : i32
        %dma_wait3A_80 = tpu.memref_slice %arg4[%run_scoped3A_18, %add3A_17, %dma_wait3A_78, %dma_wait3A_79] : memref<2x160x25x80xi32, #tpu.memory_space<hbm>> -> memref<1x1x25x80xi32, #tpu.memory_space<hbm>>
        %dma_wait3A_81 = tpu.memref_squeeze %dma_wait3A_80 : memref<1x1x25x80xi32, #tpu.memory_space<hbm>> -> memref<25x80xi32, #tpu.memory_space<hbm>>
        %dma_wait3A_82 = arith.constant 0 : i32
        %dma_wait3A_83 = arith.constant 0 : i32
        %dma_wait3A_84 = tpu.memref_slice %arg4[%run_scoped3A_18, %add3A_17, %dma_wait3A_82, %dma_wait3A_83] : memref<2x160x25x80xi32, #tpu.memory_space<hbm>> -> memref<1x1x25x80xi32, #tpu.memory_space<hbm>>
        %dma_wait3A_85 = tpu.memref_squeeze %dma_wait3A_84 : memref<1x1x25x80xi32, #tpu.memory_space<hbm>> -> memref<25x80xi32, #tpu.memory_space<hbm>>
        tpu.wait_dma2 semaphore(%run_scoped3A_69 : memref<!tpu.dma_semaphore, #tpu.memory_space<semaphore_mem>>) src(%dma_wait3A_85 : memref<25x80xi32, #tpu.memory_space<hbm>>) dst(%arg8 : memref<25x80xi32, #tpu.memory_space<vmem>>)
        tpu.yield
      }) : () -> ()
      %eq3A = arith.constant 0 : i32
      %eq3A_19 = arith.cmpi eq, %arg0, %eq3A : i32
      %convert_element_type3A = arith.extui %eq3A_19 : i1 to i32
      %cond3A = arith.constant 0 : i32
      %cond3A_20 = arith.constant 0 : i32
      %cond3A_21 = arith.cmpi ne, %convert_element_type3A, %cond3A_20 : i32
      scf.if %cond3A_21 {
        %dma_start3A_69 = arith.constant 0 : i32
        %dma_start3A_70 = tpu.memref_slice %arg7[%cond3A, %dma_start3A_69] : memref<25x80xi32, #tpu.memory_space<vmem>> -> memref<1x80xi32, #tpu.memory_space<vmem>>
        %dma_start3A_71 = tpu.memref_squeeze %dma_start3A_70 : memref<1x80xi32, #tpu.memory_space<vmem>> -> memref<80xi32, #tpu.memory_space<vmem>>
        %dma_start3A_72 = arith.constant 0 : i32
        %dma_start3A_73 = arith.constant 0 : i32
        %dma_start3A_74 = tpu.memref_slice %arg2[%dma_start3A_72, %dma_start3A_73] : memref<10000x128xf32, #tpu.memory_space<hbm>> -> memref<10000x128xf32, #tpu.memory_space<hbm>>
        tpu.enqueue_indirect_dma source(%dma_start3A_74 : memref<10000x128xf32, #tpu.memory_space<hbm>>) target(%arg9 : memref<80x128xf32, #tpu.memory_space<vmem>>) offsets(%dma_start3A_71 : memref<80xi32, #tpu.memory_space<vmem>>) semaphore(%arg13 : memref<!tpu.dma_semaphore, #tpu.memory_space<semaphore_mem>>)
      } else {
      }
      %eq3A_22 = arith.constant 1 : i32
      %eq3A_23 = arith.cmpi eq, %arg0, %eq3A_22 : i32
      %convert_element_type3A_24 = arith.extui %eq3A_23 : i1 to i32
      %cond3A_25 = arith.constant 0 : i32
      %cond3A_26 = arith.constant 0 : i32
      %cond3A_27 = arith.cmpi ne, %convert_element_type3A_24, %cond3A_26 : i32
      scf.if %cond3A_27 {
        %dma_start3A_69 = arith.constant 0 : i32
        %dma_start3A_70 = tpu.memref_slice %arg7[%cond3A_25, %dma_start3A_69] : memref<25x80xi32, #tpu.memory_space<vmem>> -> memref<1x80xi32, #tpu.memory_space<vmem>>
        %dma_start3A_71 = tpu.memref_squeeze %dma_start3A_70 : memref<1x80xi32, #tpu.memory_space<vmem>> -> memref<80xi32, #tpu.memory_space<vmem>>
        %dma_start3A_72 = arith.constant 0 : i32
        %dma_start3A_73 = arith.constant 0 : i32
        %dma_start3A_74 = tpu.memref_slice %arg3[%dma_start3A_72, %dma_start3A_73] : memref<10000x128xf32, #tpu.memory_space<hbm>> -> memref<10000x128xf32, #tpu.memory_space<hbm>>
        tpu.enqueue_indirect_dma source(%dma_start3A_74 : memref<10000x128xf32, #tpu.memory_space<hbm>>) target(%arg9 : memref<80x128xf32, #tpu.memory_space<vmem>>) offsets(%dma_start3A_71 : memref<80xi32, #tpu.memory_space<vmem>>) semaphore(%arg13 : memref<!tpu.dma_semaphore, #tpu.memory_space<semaphore_mem>>)
      } else {
      }
      %eq3A_28 = arith.constant 0 : i32
      %eq3A_29 = arith.cmpi eq, %arg0, %eq3A_28 : i32
      %convert_element_type3A_30 = arith.extui %eq3A_29 : i1 to i32
      %cond3A_31 = arith.constant 1 : i32
      %cond3A_32 = arith.constant 0 : i32
      %cond3A_33 = arith.cmpi ne, %convert_element_type3A_30, %cond3A_32 : i32
      scf.if %cond3A_33 {
        %dma_start3A_69 = arith.constant 0 : i32
        %dma_start3A_70 = tpu.memref_slice %arg7[%cond3A_31, %dma_start3A_69] : memref<25x80xi32, #tpu.memory_space<vmem>> -> memref<1x80xi32, #tpu.memory_space<vmem>>
        %dma_start3A_71 = tpu.memref_squeeze %dma_start3A_70 : memref<1x80xi32, #tpu.memory_space<vmem>> -> memref<80xi32, #tpu.memory_space<vmem>>
        %dma_start3A_72 = arith.constant 0 : i32
        %dma_start3A_73 = arith.constant 0 : i32
        %dma_start3A_74 = tpu.memref_slice %arg2[%dma_start3A_72, %dma_start3A_73] : memref<10000x128xf32, #tpu.memory_space<hbm>> -> memref<10000x128xf32, #tpu.memory_space<hbm>>
        tpu.enqueue_indirect_dma source(%dma_start3A_74 : memref<10000x128xf32, #tpu.memory_space<hbm>>) target(%arg10 : memref<80x128xf32, #tpu.memory_space<vmem>>) offsets(%dma_start3A_71 : memref<80xi32, #tpu.memory_space<vmem>>) semaphore(%arg14 : memref<!tpu.dma_semaphore, #tpu.memory_space<semaphore_mem>>)
      } else {
      }
      %eq3A_34 = arith.constant 1 : i32
      %eq3A_35 = arith.cmpi eq, %arg0, %eq3A_34 : i32
      %convert_element_type3A_36 = arith.extui %eq3A_35 : i1 to i32
      %cond3A_37 = arith.constant 1 : i32
      %cond3A_38 = arith.constant 0 : i32
      %cond3A_39 = arith.cmpi ne, %convert_element_type3A_36, %cond3A_38 : i32
      scf.if %cond3A_39 {
        %dma_start3A_69 = arith.constant 0 : i32
        %dma_start3A_70 = tpu.memref_slice %arg7[%cond3A_37, %dma_start3A_69] : memref<25x80xi32, #tpu.memory_space<vmem>> -> memref<1x80xi32, #tpu.memory_space<vmem>>
        %dma_start3A_71 = tpu.memref_squeeze %dma_start3A_70 : memref<1x80xi32, #tpu.memory_space<vmem>> -> memref<80xi32, #tpu.memory_space<vmem>>
        %dma_start3A_72 = arith.constant 0 : i32
        %dma_start3A_73 = arith.constant 0 : i32
        %dma_start3A_74 = tpu.memref_slice %arg3[%dma_start3A_72, %dma_start3A_73] : memref<10000x128xf32, #tpu.memory_space<hbm>> -> memref<10000x128xf32, #tpu.memory_space<hbm>>
        tpu.enqueue_indirect_dma source(%dma_start3A_74 : memref<10000x128xf32, #tpu.memory_space<hbm>>) target(%arg10 : memref<80x128xf32, #tpu.memory_space<vmem>>) offsets(%dma_start3A_71 : memref<80xi32, #tpu.memory_space<vmem>>) semaphore(%arg14 : memref<!tpu.dma_semaphore, #tpu.memory_space<semaphore_mem>>)
      } else {
      }
      %scan3A_40 = arith.constant 0 : i32
      %scan3A_41 = arith.constant 0 : i32
      %scan3A_42 = arith.constant 4 : i32
      %scan3A_43 = arith.addi %scan3A_41, %scan3A_42 : i32
      %scan3A_44 = arith.constant 1 : i32
      scf.for %scan3A_69 = %scan3A_41 to %scan3A_43 step %scan3A_44  : i32 {
        %mul3A_70 = arith.constant 6 : i32
        %mul3A_71 = arith.muli %mul3A_70, %scan3A_69 : i32
        %add3A_72 = arith.constant 0 : i32
        %add3A_73 = arith.addi %mul3A_71, %add3A_72 : i32
        %gt3A = arith.constant 0 : i32
        %gt3A_74 = arith.cmpi sgt, %add3A_73, %gt3A : i32
        %convert_element_type3A_75 = arith.extui %gt3A_74 : i1 to i32
        %cond3A_76 = arith.constant 0 : i32
        %cond3A_77 = arith.cmpi ne, %convert_element_type3A_75, %cond3A_76 : i32
        scf.if %cond3A_77 {
          %dma_wait3A_247 = arith.constant 0 : i32
          %dma_wait3A_248 = arith.constant 0 : i32
          %dma_wait3A_249 = tpu.memref_slice %arg5[%dma_wait3A_247, %dma_wait3A_248] : memref<10000x128xf32, #tpu.memory_space<hbm>> -> memref<80x128xf32, #tpu.memory_space<hbm>>
          %dma_wait3A_250 = arith.constant 0 : i32
          %dma_wait3A_251 = arith.constant 0 : i32
          %dma_wait3A_252 = tpu.memref_slice %arg5[%dma_wait3A_250, %dma_wait3A_251] : memref<10000x128xf32, #tpu.memory_space<hbm>> -> memref<80x128xf32, #tpu.memory_space<hbm>>
          tpu.wait_dma2 semaphore(%arg15 : memref<!tpu.dma_semaphore, #tpu.memory_space<semaphore_mem>>) src(%dma_wait3A_252 : memref<80x128xf32, #tpu.memory_space<hbm>>) dst(%arg9 : memref<80x128xf32, #tpu.memory_space<vmem>>)
        } else {
        }
        %dma_wait3A_78 = arith.constant 0 : i32
        %dma_wait3A_79 = arith.constant 0 : i32
        %dma_wait3A_80 = tpu.memref_slice %arg5[%dma_wait3A_78, %dma_wait3A_79] : memref<10000x128xf32, #tpu.memory_space<hbm>> -> memref<80x128xf32, #tpu.memory_space<hbm>>
        %dma_wait3A_81 = arith.constant 0 : i32
        %dma_wait3A_82 = arith.constant 0 : i32
        %dma_wait3A_83 = tpu.memref_slice %arg5[%dma_wait3A_81, %dma_wait3A_82] : memref<10000x128xf32, #tpu.memory_space<hbm>> -> memref<80x128xf32, #tpu.memory_space<hbm>>
        tpu.wait_dma2 semaphore(%arg13 : memref<!tpu.dma_semaphore, #tpu.memory_space<semaphore_mem>>) src(%dma_wait3A_83 : memref<80x128xf32, #tpu.memory_space<hbm>>) dst(%arg9 : memref<80x128xf32, #tpu.memory_space<vmem>>)
        %add3A_84 = arith.constant 3 : i32
        %add3A_85 = arith.addi %add3A_73, %add3A_84 : i32
        %sub3A = arith.constant 1 : i32
        %sub3A_86 = arith.subi %add3A_85, %sub3A : i32
        %lt3A = arith.constant 25 : i32
        %lt3A_87 = arith.cmpi slt, %sub3A_86, %lt3A : i32
        %convert_element_type3A_88 = arith.extui %lt3A_87 : i1 to i32
        %cond3A_89 = arith.constant 0 : i32
        %cond3A_90 = arith.cmpi ne, %convert_element_type3A_88, %cond3A_89 : i32
        scf.if %cond3A_90 {
          %add3A_247 = arith.constant 3 : i32
          %add3A_248 = arith.addi %add3A_73, %add3A_247 : i32
          %sub3A_249 = arith.constant 1 : i32
          %sub3A_250 = arith.subi %add3A_248, %sub3A_249 : i32
          %eq3A_251 = arith.constant 0 : i32
          %eq3A_252 = arith.cmpi eq, %arg0, %eq3A_251 : i32
          %convert_element_type3A_253 = arith.extui %eq3A_252 : i1 to i32
          %cond3A_254 = arith.constant 0 : i32
          %cond3A_255 = arith.cmpi ne, %convert_element_type3A_253, %cond3A_254 : i32
          scf.if %cond3A_255 {
            %dma_start3A_261 = arith.constant 0 : i32
            %dma_start3A_262 = tpu.memref_slice %arg7[%sub3A_250, %dma_start3A_261] : memref<25x80xi32, #tpu.memory_space<vmem>> -> memref<1x80xi32, #tpu.memory_space<vmem>>
            %dma_start3A_263 = tpu.memref_squeeze %dma_start3A_262 : memref<1x80xi32, #tpu.memory_space<vmem>> -> memref<80xi32, #tpu.memory_space<vmem>>
            %dma_start3A_264 = arith.constant 0 : i32
            %dma_start3A_265 = arith.constant 0 : i32
            %dma_start3A_266 = tpu.memref_slice %arg2[%dma_start3A_264, %dma_start3A_265] : memref<10000x128xf32, #tpu.memory_space<hbm>> -> memref<10000x128xf32, #tpu.memory_space<hbm>>
            tpu.enqueue_indirect_dma source(%dma_start3A_266 : memref<10000x128xf32, #tpu.memory_space<hbm>>) target(%arg11 : memref<80x128xf32, #tpu.memory_space<vmem>>) offsets(%dma_start3A_263 : memref<80xi32, #tpu.memory_space<vmem>>) semaphore(%arg13 : memref<!tpu.dma_semaphore, #tpu.memory_space<semaphore_mem>>)
          } else {
          }
          %eq3A_256 = arith.constant 1 : i32
          %eq3A_257 = arith.cmpi eq, %arg0, %eq3A_256 : i32
          %convert_element_type3A_258 = arith.extui %eq3A_257 : i1 to i32
          %cond3A_259 = arith.constant 0 : i32
          %cond3A_260 = arith.cmpi ne, %convert_element_type3A_258, %cond3A_259 : i32
          scf.if %cond3A_260 {
            %dma_start3A_261 = arith.constant 0 : i32
            %dma_start3A_262 = tpu.memref_slice %arg7[%sub3A_250, %dma_start3A_261] : memref<25x80xi32, #tpu.memory_space<vmem>> -> memref<1x80xi32, #tpu.memory_space<vmem>>
            %dma_start3A_263 = tpu.memref_squeeze %dma_start3A_262 : memref<1x80xi32, #tpu.memory_space<vmem>> -> memref<80xi32, #tpu.memory_space<vmem>>
            %dma_start3A_264 = arith.constant 0 : i32
            %dma_start3A_265 = arith.constant 0 : i32
            %dma_start3A_266 = tpu.memref_slice %arg3[%dma_start3A_264, %dma_start3A_265] : memref<10000x128xf32, #tpu.memory_space<hbm>> -> memref<10000x128xf32, #tpu.memory_space<hbm>>
            tpu.enqueue_indirect_dma source(%dma_start3A_266 : memref<10000x128xf32, #tpu.memory_space<hbm>>) target(%arg11 : memref<80x128xf32, #tpu.memory_space<vmem>>) offsets(%dma_start3A_263 : memref<80xi32, #tpu.memory_space<vmem>>) semaphore(%arg13 : memref<!tpu.dma_semaphore, #tpu.memory_space<semaphore_mem>>)
          } else {
          }
        } else {
        }
        %dma_start3A_91 = arith.constant 0 : i32
        %dma_start3A_92 = tpu.memref_slice %arg8[%add3A_73, %dma_start3A_91] : memref<25x80xi32, #tpu.memory_space<vmem>> -> memref<1x80xi32, #tpu.memory_space<vmem>>
        %dma_start3A_93 = tpu.memref_squeeze %dma_start3A_92 : memref<1x80xi32, #tpu.memory_space<vmem>> -> memref<80xi32, #tpu.memory_space<vmem>>
        %dma_start3A_94 = arith.constant 0 : i32
        %dma_start3A_95 = arith.constant 0 : i32
        %dma_start3A_96 = tpu.memref_slice %arg12[%dma_start3A_94, %dma_start3A_95] : memref<10000x128xf32, #tpu.memory_space<vmem_shared>> -> memref<10000x128xf32, #tpu.memory_space<vmem_shared>>
        tpu.enqueue_indirect_dma source(%arg9 : memref<80x128xf32, #tpu.memory_space<vmem>>) target(%dma_start3A_96 : memref<10000x128xf32, #tpu.memory_space<vmem_shared>>) offsets(%dma_start3A_93 : memref<80xi32, #tpu.memory_space<vmem>>) semaphore(%arg15 : memref<!tpu.dma_semaphore, #tpu.memory_space<semaphore_mem>>) {add = true}
        %mul3A_97 = arith.constant 6 : i32
        %mul3A_98 = arith.muli %mul3A_97, %scan3A_69 : i32
        %add3A_99 = arith.constant 1 : i32
        %add3A_100 = arith.addi %mul3A_98, %add3A_99 : i32
        %gt3A_101 = arith.constant 0 : i32
        %gt3A_102 = arith.cmpi sgt, %add3A_100, %gt3A_101 : i32
        %convert_element_type3A_103 = arith.extui %gt3A_102 : i1 to i32
        %cond3A_104 = arith.constant 0 : i32
        %cond3A_105 = arith.cmpi ne, %convert_element_type3A_103, %cond3A_104 : i32
        scf.if %cond3A_105 {
          %dma_wait3A_247 = arith.constant 0 : i32
          %dma_wait3A_248 = arith.constant 0 : i32
          %dma_wait3A_249 = tpu.memref_slice %arg5[%dma_wait3A_247, %dma_wait3A_248] : memref<10000x128xf32, #tpu.memory_space<hbm>> -> memref<80x128xf32, #tpu.memory_space<hbm>>
          %dma_wait3A_250 = arith.constant 0 : i32
          %dma_wait3A_251 = arith.constant 0 : i32
          %dma_wait3A_252 = tpu.memref_slice %arg5[%dma_wait3A_250, %dma_wait3A_251] : memref<10000x128xf32, #tpu.memory_space<hbm>> -> memref<80x128xf32, #tpu.memory_space<hbm>>
          tpu.wait_dma2 semaphore(%arg15 : memref<!tpu.dma_semaphore, #tpu.memory_space<semaphore_mem>>) src(%dma_wait3A_252 : memref<80x128xf32, #tpu.memory_space<hbm>>) dst(%arg10 : memref<80x128xf32, #tpu.memory_space<vmem>>)
        } else {
        }
        %dma_wait3A_106 = arith.constant 0 : i32
        %dma_wait3A_107 = arith.constant 0 : i32
        %dma_wait3A_108 = tpu.memref_slice %arg5[%dma_wait3A_106, %dma_wait3A_107] : memref<10000x128xf32, #tpu.memory_space<hbm>> -> memref<80x128xf32, #tpu.memory_space<hbm>>
        %dma_wait3A_109 = arith.constant 0 : i32
        %dma_wait3A_110 = arith.constant 0 : i32
        %dma_wait3A_111 = tpu.memref_slice %arg5[%dma_wait3A_109, %dma_wait3A_110] : memref<10000x128xf32, #tpu.memory_space<hbm>> -> memref<80x128xf32, #tpu.memory_space<hbm>>
        tpu.wait_dma2 semaphore(%arg14 : memref<!tpu.dma_semaphore, #tpu.memory_space<semaphore_mem>>) src(%dma_wait3A_111 : memref<80x128xf32, #tpu.memory_space<hbm>>) dst(%arg10 : memref<80x128xf32, #tpu.memory_space<vmem>>)
        %add3A_112 = arith.constant 3 : i32
        %add3A_113 = arith.addi %add3A_100, %add3A_112 : i32
        %sub3A_114 = arith.constant 1 : i32
        %sub3A_115 = arith.subi %add3A_113, %sub3A_114 : i32
        %lt3A_116 = arith.constant 25 : i32
        %lt3A_117 = arith.cmpi slt, %sub3A_115, %lt3A_116 : i32
        %convert_element_type3A_118 = arith.extui %lt3A_117 : i1 to i32
        %cond3A_119 = arith.constant 0 : i32
        %cond3A_120 = arith.cmpi ne, %convert_element_type3A_118, %cond3A_119 : i32
        scf.if %cond3A_120 {
          %add3A_247 = arith.constant 3 : i32
          %add3A_248 = arith.addi %add3A_100, %add3A_247 : i32
          %sub3A_249 = arith.constant 1 : i32
          %sub3A_250 = arith.subi %add3A_248, %sub3A_249 : i32
          %eq3A_251 = arith.constant 0 : i32
          %eq3A_252 = arith.cmpi eq, %arg0, %eq3A_251 : i32
          %convert_element_type3A_253 = arith.extui %eq3A_252 : i1 to i32
          %cond3A_254 = arith.constant 0 : i32
          %cond3A_255 = arith.cmpi ne, %convert_element_type3A_253, %cond3A_254 : i32
          scf.if %cond3A_255 {
            %dma_start3A_261 = arith.constant 0 : i32
            %dma_start3A_262 = tpu.memref_slice %arg7[%sub3A_250, %dma_start3A_261] : memref<25x80xi32, #tpu.memory_space<vmem>> -> memref<1x80xi32, #tpu.memory_space<vmem>>
            %dma_start3A_263 = tpu.memref_squeeze %dma_start3A_262 : memref<1x80xi32, #tpu.memory_space<vmem>> -> memref<80xi32, #tpu.memory_space<vmem>>
            %dma_start3A_264 = arith.constant 0 : i32
            %dma_start3A_265 = arith.constant 0 : i32
            %dma_start3A_266 = tpu.memref_slice %arg2[%dma_start3A_264, %dma_start3A_265] : memref<10000x128xf32, #tpu.memory_space<hbm>> -> memref<10000x128xf32, #tpu.memory_space<hbm>>
            tpu.enqueue_indirect_dma source(%dma_start3A_266 : memref<10000x128xf32, #tpu.memory_space<hbm>>) target(%arg9 : memref<80x128xf32, #tpu.memory_space<vmem>>) offsets(%dma_start3A_263 : memref<80xi32, #tpu.memory_space<vmem>>) semaphore(%arg14 : memref<!tpu.dma_semaphore, #tpu.memory_space<semaphore_mem>>)
          } else {
          }
          %eq3A_256 = arith.constant 1 : i32
          %eq3A_257 = arith.cmpi eq, %arg0, %eq3A_256 : i32
          %convert_element_type3A_258 = arith.extui %eq3A_257 : i1 to i32
          %cond3A_259 = arith.constant 0 : i32
          %cond3A_260 = arith.cmpi ne, %convert_element_type3A_258, %cond3A_259 : i32
          scf.if %cond3A_260 {
            %dma_start3A_261 = arith.constant 0 : i32
            %dma_start3A_262 = tpu.memref_slice %arg7[%sub3A_250, %dma_start3A_261] : memref<25x80xi32, #tpu.memory_space<vmem>> -> memref<1x80xi32, #tpu.memory_space<vmem>>
            %dma_start3A_263 = tpu.memref_squeeze %dma_start3A_262 : memref<1x80xi32, #tpu.memory_space<vmem>> -> memref<80xi32, #tpu.memory_space<vmem>>
            %dma_start3A_264 = arith.constant 0 : i32
            %dma_start3A_265 = arith.constant 0 : i32
            %dma_start3A_266 = tpu.memref_slice %arg3[%dma_start3A_264, %dma_start3A_265] : memref<10000x128xf32, #tpu.memory_space<hbm>> -> memref<10000x128xf32, #tpu.memory_space<hbm>>
            tpu.enqueue_indirect_dma source(%dma_start3A_266 : memref<10000x128xf32, #tpu.memory_space<hbm>>) target(%arg9 : memref<80x128xf32, #tpu.memory_space<vmem>>) offsets(%dma_start3A_263 : memref<80xi32, #tpu.memory_space<vmem>>) semaphore(%arg14 : memref<!tpu.dma_semaphore, #tpu.memory_space<semaphore_mem>>)
          } else {
          }
        } else {
        }
        %dma_start3A_121 = arith.constant 0 : i32
        %dma_start3A_122 = tpu.memref_slice %arg8[%add3A_100, %dma_start3A_121] : memref<25x80xi32, #tpu.memory_space<vmem>> -> memref<1x80xi32, #tpu.memory_space<vmem>>
        %dma_start3A_123 = tpu.memref_squeeze %dma_start3A_122 : memref<1x80xi32, #tpu.memory_space<vmem>> -> memref<80xi32, #tpu.memory_space<vmem>>
        %dma_start3A_124 = arith.constant 0 : i32
        %dma_start3A_125 = arith.constant 0 : i32
        %dma_start3A_126 = tpu.memref_slice %arg12[%dma_start3A_124, %dma_start3A_125] : memref<10000x128xf32, #tpu.memory_space<vmem_shared>> -> memref<10000x128xf32, #tpu.memory_space<vmem_shared>>
        tpu.enqueue_indirect_dma source(%arg10 : memref<80x128xf32, #tpu.memory_space<vmem>>) target(%dma_start3A_126 : memref<10000x128xf32, #tpu.memory_space<vmem_shared>>) offsets(%dma_start3A_123 : memref<80xi32, #tpu.memory_space<vmem>>) semaphore(%arg15 : memref<!tpu.dma_semaphore, #tpu.memory_space<semaphore_mem>>) {add = true}
        %mul3A_127 = arith.constant 6 : i32
        %mul3A_128 = arith.muli %mul3A_127, %scan3A_69 : i32
        %add3A_129 = arith.constant 2 : i32
        %add3A_130 = arith.addi %mul3A_128, %add3A_129 : i32
        %gt3A_131 = arith.constant 0 : i32
        %gt3A_132 = arith.cmpi sgt, %add3A_130, %gt3A_131 : i32
        %convert_element_type3A_133 = arith.extui %gt3A_132 : i1 to i32
        %cond3A_134 = arith.constant 0 : i32
        %cond3A_135 = arith.cmpi ne, %convert_element_type3A_133, %cond3A_134 : i32
        scf.if %cond3A_135 {
          %dma_wait3A_247 = arith.constant 0 : i32
          %dma_wait3A_248 = arith.constant 0 : i32
          %dma_wait3A_249 = tpu.memref_slice %arg5[%dma_wait3A_247, %dma_wait3A_248] : memref<10000x128xf32, #tpu.memory_space<hbm>> -> memref<80x128xf32, #tpu.memory_space<hbm>>
          %dma_wait3A_250 = arith.constant 0 : i32
          %dma_wait3A_251 = arith.constant 0 : i32
          %dma_wait3A_252 = tpu.memref_slice %arg5[%dma_wait3A_250, %dma_wait3A_251] : memref<10000x128xf32, #tpu.memory_space<hbm>> -> memref<80x128xf32, #tpu.memory_space<hbm>>
          tpu.wait_dma2 semaphore(%arg15 : memref<!tpu.dma_semaphore, #tpu.memory_space<semaphore_mem>>) src(%dma_wait3A_252 : memref<80x128xf32, #tpu.memory_space<hbm>>) dst(%arg11 : memref<80x128xf32, #tpu.memory_space<vmem>>)
        } else {
        }
        %dma_wait3A_136 = arith.constant 0 : i32
        %dma_wait3A_137 = arith.constant 0 : i32
        %dma_wait3A_138 = tpu.memref_slice %arg5[%dma_wait3A_136, %dma_wait3A_137] : memref<10000x128xf32, #tpu.memory_space<hbm>> -> memref<80x128xf32, #tpu.memory_space<hbm>>
        %dma_wait3A_139 = arith.constant 0 : i32
        %dma_wait3A_140 = arith.constant 0 : i32
        %dma_wait3A_141 = tpu.memref_slice %arg5[%dma_wait3A_139, %dma_wait3A_140] : memref<10000x128xf32, #tpu.memory_space<hbm>> -> memref<80x128xf32, #tpu.memory_space<hbm>>
        tpu.wait_dma2 semaphore(%arg13 : memref<!tpu.dma_semaphore, #tpu.memory_space<semaphore_mem>>) src(%dma_wait3A_141 : memref<80x128xf32, #tpu.memory_space<hbm>>) dst(%arg11 : memref<80x128xf32, #tpu.memory_space<vmem>>)
        %add3A_142 = arith.constant 3 : i32
        %add3A_143 = arith.addi %add3A_130, %add3A_142 : i32
        %sub3A_144 = arith.constant 1 : i32
        %sub3A_145 = arith.subi %add3A_143, %sub3A_144 : i32
        %lt3A_146 = arith.constant 25 : i32
        %lt3A_147 = arith.cmpi slt, %sub3A_145, %lt3A_146 : i32
        %convert_element_type3A_148 = arith.extui %lt3A_147 : i1 to i32
        %cond3A_149 = arith.constant 0 : i32
        %cond3A_150 = arith.cmpi ne, %convert_element_type3A_148, %cond3A_149 : i32
        scf.if %cond3A_150 {
          %add3A_247 = arith.constant 3 : i32
          %add3A_248 = arith.addi %add3A_130, %add3A_247 : i32
          %sub3A_249 = arith.constant 1 : i32
          %sub3A_250 = arith.subi %add3A_248, %sub3A_249 : i32
          %eq3A_251 = arith.constant 0 : i32
          %eq3A_252 = arith.cmpi eq, %arg0, %eq3A_251 : i32
          %convert_element_type3A_253 = arith.extui %eq3A_252 : i1 to i32
          %cond3A_254 = arith.constant 0 : i32
          %cond3A_255 = arith.cmpi ne, %convert_element_type3A_253, %cond3A_254 : i32
          scf.if %cond3A_255 {
            %dma_start3A_261 = arith.constant 0 : i32
            %dma_start3A_262 = tpu.memref_slice %arg7[%sub3A_250, %dma_start3A_261] : memref<25x80xi32, #tpu.memory_space<vmem>> -> memref<1x80xi32, #tpu.memory_space<vmem>>
            %dma_start3A_263 = tpu.memref_squeeze %dma_start3A_262 : memref<1x80xi32, #tpu.memory_space<vmem>> -> memref<80xi32, #tpu.memory_space<vmem>>
            %dma_start3A_264 = arith.constant 0 : i32
            %dma_start3A_265 = arith.constant 0 : i32
            %dma_start3A_266 = tpu.memref_slice %arg2[%dma_start3A_264, %dma_start3A_265] : memref<10000x128xf32, #tpu.memory_space<hbm>> -> memref<10000x128xf32, #tpu.memory_space<hbm>>
            tpu.enqueue_indirect_dma source(%dma_start3A_266 : memref<10000x128xf32, #tpu.memory_space<hbm>>) target(%arg10 : memref<80x128xf32, #tpu.memory_space<vmem>>) offsets(%dma_start3A_263 : memref<80xi32, #tpu.memory_space<vmem>>) semaphore(%arg13 : memref<!tpu.dma_semaphore, #tpu.memory_space<semaphore_mem>>)
          } else {
          }
          %eq3A_256 = arith.constant 1 : i32
          %eq3A_257 = arith.cmpi eq, %arg0, %eq3A_256 : i32
          %convert_element_type3A_258 = arith.extui %eq3A_257 : i1 to i32
          %cond3A_259 = arith.constant 0 : i32
          %cond3A_260 = arith.cmpi ne, %convert_element_type3A_258, %cond3A_259 : i32
          scf.if %cond3A_260 {
            %dma_start3A_261 = arith.constant 0 : i32
            %dma_start3A_262 = tpu.memref_slice %arg7[%sub3A_250, %dma_start3A_261] : memref<25x80xi32, #tpu.memory_space<vmem>> -> memref<1x80xi32, #tpu.memory_space<vmem>>
            %dma_start3A_263 = tpu.memref_squeeze %dma_start3A_262 : memref<1x80xi32, #tpu.memory_space<vmem>> -> memref<80xi32, #tpu.memory_space<vmem>>
            %dma_start3A_264 = arith.constant 0 : i32
            %dma_start3A_265 = arith.constant 0 : i32
            %dma_start3A_266 = tpu.memref_slice %arg3[%dma_start3A_264, %dma_start3A_265] : memref<10000x128xf32, #tpu.memory_space<hbm>> -> memref<10000x128xf32, #tpu.memory_space<hbm>>
            tpu.enqueue_indirect_dma source(%dma_start3A_266 : memref<10000x128xf32, #tpu.memory_space<hbm>>) target(%arg10 : memref<80x128xf32, #tpu.memory_space<vmem>>) offsets(%dma_start3A_263 : memref<80xi32, #tpu.memory_space<vmem>>) semaphore(%arg13 : memref<!tpu.dma_semaphore, #tpu.memory_space<semaphore_mem>>)
          } else {
          }
        } else {
        }
        %dma_start3A_151 = arith.constant 0 : i32
        %dma_start3A_152 = tpu.memref_slice %arg8[%add3A_130, %dma_start3A_151] : memref<25x80xi32, #tpu.memory_space<vmem>> -> memref<1x80xi32, #tpu.memory_space<vmem>>
        %dma_start3A_153 = tpu.memref_squeeze %dma_start3A_152 : memref<1x80xi32, #tpu.memory_space<vmem>> -> memref<80xi32, #tpu.memory_space<vmem>>
        %dma_start3A_154 = arith.constant 0 : i32
        %dma_start3A_155 = arith.constant 0 : i32
        %dma_start3A_156 = tpu.memref_slice %arg12[%dma_start3A_154, %dma_start3A_155] : memref<10000x128xf32, #tpu.memory_space<vmem_shared>> -> memref<10000x128xf32, #tpu.memory_space<vmem_shared>>
        tpu.enqueue_indirect_dma source(%arg11 : memref<80x128xf32, #tpu.memory_space<vmem>>) target(%dma_start3A_156 : memref<10000x128xf32, #tpu.memory_space<vmem_shared>>) offsets(%dma_start3A_153 : memref<80xi32, #tpu.memory_space<vmem>>) semaphore(%arg15 : memref<!tpu.dma_semaphore, #tpu.memory_space<semaphore_mem>>) {add = true}
        %mul3A_157 = arith.constant 6 : i32
        %mul3A_158 = arith.muli %mul3A_157, %scan3A_69 : i32
        %add3A_159 = arith.constant 3 : i32
        %add3A_160 = arith.addi %mul3A_158, %add3A_159 : i32
        %gt3A_161 = arith.constant 0 : i32
        %gt3A_162 = arith.cmpi sgt, %add3A_160, %gt3A_161 : i32
        %convert_element_type3A_163 = arith.extui %gt3A_162 : i1 to i32
        %cond3A_164 = arith.constant 0 : i32
        %cond3A_165 = arith.cmpi ne, %convert_element_type3A_163, %cond3A_164 : i32
        scf.if %cond3A_165 {
          %dma_wait3A_247 = arith.constant 0 : i32
          %dma_wait3A_248 = arith.constant 0 : i32
          %dma_wait3A_249 = tpu.memref_slice %arg5[%dma_wait3A_247, %dma_wait3A_248] : memref<10000x128xf32, #tpu.memory_space<hbm>> -> memref<80x128xf32, #tpu.memory_space<hbm>>
          %dma_wait3A_250 = arith.constant 0 : i32
          %dma_wait3A_251 = arith.constant 0 : i32
          %dma_wait3A_252 = tpu.memref_slice %arg5[%dma_wait3A_250, %dma_wait3A_251] : memref<10000x128xf32, #tpu.memory_space<hbm>> -> memref<80x128xf32, #tpu.memory_space<hbm>>
          tpu.wait_dma2 semaphore(%arg15 : memref<!tpu.dma_semaphore, #tpu.memory_space<semaphore_mem>>) src(%dma_wait3A_252 : memref<80x128xf32, #tpu.memory_space<hbm>>) dst(%arg9 : memref<80x128xf32, #tpu.memory_space<vmem>>)
        } else {
        }
        %dma_wait3A_166 = arith.constant 0 : i32
        %dma_wait3A_167 = arith.constant 0 : i32
        %dma_wait3A_168 = tpu.memref_slice %arg5[%dma_wait3A_166, %dma_wait3A_167] : memref<10000x128xf32, #tpu.memory_space<hbm>> -> memref<80x128xf32, #tpu.memory_space<hbm>>
        %dma_wait3A_169 = arith.constant 0 : i32
        %dma_wait3A_170 = arith.constant 0 : i32
        %dma_wait3A_171 = tpu.memref_slice %arg5[%dma_wait3A_169, %dma_wait3A_170] : memref<10000x128xf32, #tpu.memory_space<hbm>> -> memref<80x128xf32, #tpu.memory_space<hbm>>
        tpu.wait_dma2 semaphore(%arg14 : memref<!tpu.dma_semaphore, #tpu.memory_space<semaphore_mem>>) src(%dma_wait3A_171 : memref<80x128xf32, #tpu.memory_space<hbm>>) dst(%arg9 : memref<80x128xf32, #tpu.memory_space<vmem>>)
        %add3A_172 = arith.constant 3 : i32
        %add3A_173 = arith.addi %add3A_160, %add3A_172 : i32
        %sub3A_174 = arith.constant 1 : i32
        %sub3A_175 = arith.subi %add3A_173, %sub3A_174 : i32
        %lt3A_176 = arith.constant 25 : i32
        %lt3A_177 = arith.cmpi slt, %sub3A_175, %lt3A_176 : i32
        %convert_element_type3A_178 = arith.extui %lt3A_177 : i1 to i32
        %cond3A_179 = arith.constant 0 : i32
        %cond3A_180 = arith.cmpi ne, %convert_element_type3A_178, %cond3A_179 : i32
        scf.if %cond3A_180 {
          %add3A_247 = arith.constant 3 : i32
          %add3A_248 = arith.addi %add3A_160, %add3A_247 : i32
          %sub3A_249 = arith.constant 1 : i32
          %sub3A_250 = arith.subi %add3A_248, %sub3A_249 : i32
          %eq3A_251 = arith.constant 0 : i32
          %eq3A_252 = arith.cmpi eq, %arg0, %eq3A_251 : i32
          %convert_element_type3A_253 = arith.extui %eq3A_252 : i1 to i32
          %cond3A_254 = arith.constant 0 : i32
          %cond3A_255 = arith.cmpi ne, %convert_element_type3A_253, %cond3A_254 : i32
          scf.if %cond3A_255 {
            %dma_start3A_261 = arith.constant 0 : i32
            %dma_start3A_262 = tpu.memref_slice %arg7[%sub3A_250, %dma_start3A_261] : memref<25x80xi32, #tpu.memory_space<vmem>> -> memref<1x80xi32, #tpu.memory_space<vmem>>
            %dma_start3A_263 = tpu.memref_squeeze %dma_start3A_262 : memref<1x80xi32, #tpu.memory_space<vmem>> -> memref<80xi32, #tpu.memory_space<vmem>>
            %dma_start3A_264 = arith.constant 0 : i32
            %dma_start3A_265 = arith.constant 0 : i32
            %dma_start3A_266 = tpu.memref_slice %arg2[%dma_start3A_264, %dma_start3A_265] : memref<10000x128xf32, #tpu.memory_space<hbm>> -> memref<10000x128xf32, #tpu.memory_space<hbm>>
            tpu.enqueue_indirect_dma source(%dma_start3A_266 : memref<10000x128xf32, #tpu.memory_space<hbm>>) target(%arg11 : memref<80x128xf32, #tpu.memory_space<vmem>>) offsets(%dma_start3A_263 : memref<80xi32, #tpu.memory_space<vmem>>) semaphore(%arg14 : memref<!tpu.dma_semaphore, #tpu.memory_space<semaphore_mem>>)
          } else {
          }
          %eq3A_256 = arith.constant 1 : i32
          %eq3A_257 = arith.cmpi eq, %arg0, %eq3A_256 : i32
          %convert_element_type3A_258 = arith.extui %eq3A_257 : i1 to i32
          %cond3A_259 = arith.constant 0 : i32
          %cond3A_260 = arith.cmpi ne, %convert_element_type3A_258, %cond3A_259 : i32
          scf.if %cond3A_260 {
            %dma_start3A_261 = arith.constant 0 : i32
            %dma_start3A_262 = tpu.memref_slice %arg7[%sub3A_250, %dma_start3A_261] : memref<25x80xi32, #tpu.memory_space<vmem>> -> memref<1x80xi32, #tpu.memory_space<vmem>>
            %dma_start3A_263 = tpu.memref_squeeze %dma_start3A_262 : memref<1x80xi32, #tpu.memory_space<vmem>> -> memref<80xi32, #tpu.memory_space<vmem>>
            %dma_start3A_264 = arith.constant 0 : i32
            %dma_start3A_265 = arith.constant 0 : i32
            %dma_start3A_266 = tpu.memref_slice %arg3[%dma_start3A_264, %dma_start3A_265] : memref<10000x128xf32, #tpu.memory_space<hbm>> -> memref<10000x128xf32, #tpu.memory_space<hbm>>
            tpu.enqueue_indirect_dma source(%dma_start3A_266 : memref<10000x128xf32, #tpu.memory_space<hbm>>) target(%arg11 : memref<80x128xf32, #tpu.memory_space<vmem>>) offsets(%dma_start3A_263 : memref<80xi32, #tpu.memory_space<vmem>>) semaphore(%arg14 : memref<!tpu.dma_semaphore, #tpu.memory_space<semaphore_mem>>)
          } else {
          }
        } else {
        }
        %dma_start3A_181 = arith.constant 0 : i32
        %dma_start3A_182 = tpu.memref_slice %arg8[%add3A_160, %dma_start3A_181] : memref<25x80xi32, #tpu.memory_space<vmem>> -> memref<1x80xi32, #tpu.memory_space<vmem>>
        %dma_start3A_183 = tpu.memref_squeeze %dma_start3A_182 : memref<1x80xi32, #tpu.memory_space<vmem>> -> memref<80xi32, #tpu.memory_space<vmem>>
        %dma_start3A_184 = arith.constant 0 : i32
        %dma_start3A_185 = arith.constant 0 : i32
        %dma_start3A_186 = tpu.memref_slice %arg12[%dma_start3A_184, %dma_start3A_185] : memref<10000x128xf32, #tpu.memory_space<vmem_shared>> -> memref<10000x128xf32, #tpu.memory_space<vmem_shared>>
        tpu.enqueue_indirect_dma source(%arg9 : memref<80x128xf32, #tpu.memory_space<vmem>>) target(%dma_start3A_186 : memref<10000x128xf32, #tpu.memory_space<vmem_shared>>) offsets(%dma_start3A_183 : memref<80xi32, #tpu.memory_space<vmem>>) semaphore(%arg15 : memref<!tpu.dma_semaphore, #tpu.memory_space<semaphore_mem>>) {add = true}
        %mul3A_187 = arith.constant 6 : i32
        %mul3A_188 = arith.muli %mul3A_187, %scan3A_69 : i32
        %add3A_189 = arith.constant 4 : i32
        %add3A_190 = arith.addi %mul3A_188, %add3A_189 : i32
        %gt3A_191 = arith.constant 0 : i32
        %gt3A_192 = arith.cmpi sgt, %add3A_190, %gt3A_191 : i32
        %convert_element_type3A_193 = arith.extui %gt3A_192 : i1 to i32
        %cond3A_194 = arith.constant 0 : i32
        %cond3A_195 = arith.cmpi ne, %convert_element_type3A_193, %cond3A_194 : i32
        scf.if %cond3A_195 {
          %dma_wait3A_247 = arith.constant 0 : i32
          %dma_wait3A_248 = arith.constant 0 : i32
          %dma_wait3A_249 = tpu.memref_slice %arg5[%dma_wait3A_247, %dma_wait3A_248] : memref<10000x128xf32, #tpu.memory_space<hbm>> -> memref<80x128xf32, #tpu.memory_space<hbm>>
          %dma_wait3A_250 = arith.constant 0 : i32
          %dma_wait3A_251 = arith.constant 0 : i32
          %dma_wait3A_252 = tpu.memref_slice %arg5[%dma_wait3A_250, %dma_wait3A_251] : memref<10000x128xf32, #tpu.memory_space<hbm>> -> memref<80x128xf32, #tpu.memory_space<hbm>>
          tpu.wait_dma2 semaphore(%arg15 : memref<!tpu.dma_semaphore, #tpu.memory_space<semaphore_mem>>) src(%dma_wait3A_252 : memref<80x128xf32, #tpu.memory_space<hbm>>) dst(%arg10 : memref<80x128xf32, #tpu.memory_space<vmem>>)
        } else {
        }
        %dma_wait3A_196 = arith.constant 0 : i32
        %dma_wait3A_197 = arith.constant 0 : i32
        %dma_wait3A_198 = tpu.memref_slice %arg5[%dma_wait3A_196, %dma_wait3A_197] : memref<10000x128xf32, #tpu.memory_space<hbm>> -> memref<80x128xf32, #tpu.memory_space<hbm>>
        %dma_wait3A_199 = arith.constant 0 : i32
        %dma_wait3A_200 = arith.constant 0 : i32
        %dma_wait3A_201 = tpu.memref_slice %arg5[%dma_wait3A_199, %dma_wait3A_200] : memref<10000x128xf32, #tpu.memory_space<hbm>> -> memref<80x128xf32, #tpu.memory_space<hbm>>
        tpu.wait_dma2 semaphore(%arg13 : memref<!tpu.dma_semaphore, #tpu.memory_space<semaphore_mem>>) src(%dma_wait3A_201 : memref<80x128xf32, #tpu.memory_space<hbm>>) dst(%arg10 : memref<80x128xf32, #tpu.memory_space<vmem>>)
        %add3A_202 = arith.constant 3 : i32
        %add3A_203 = arith.addi %add3A_190, %add3A_202 : i32
        %sub3A_204 = arith.constant 1 : i32
        %sub3A_205 = arith.subi %add3A_203, %sub3A_204 : i32
        %lt3A_206 = arith.constant 25 : i32
        %lt3A_207 = arith.cmpi slt, %sub3A_205, %lt3A_206 : i32
        %convert_element_type3A_208 = arith.extui %lt3A_207 : i1 to i32
        %cond3A_209 = arith.constant 0 : i32
        %cond3A_210 = arith.cmpi ne, %convert_element_type3A_208, %cond3A_209 : i32
        scf.if %cond3A_210 {
          %add3A_247 = arith.constant 3 : i32
          %add3A_248 = arith.addi %add3A_190, %add3A_247 : i32
          %sub3A_249 = arith.constant 1 : i32
          %sub3A_250 = arith.subi %add3A_248, %sub3A_249 : i32
          %eq3A_251 = arith.constant 0 : i32
          %eq3A_252 = arith.cmpi eq, %arg0, %eq3A_251 : i32
          %convert_element_type3A_253 = arith.extui %eq3A_252 : i1 to i32
          %cond3A_254 = arith.constant 0 : i32
          %cond3A_255 = arith.cmpi ne, %convert_element_type3A_253, %cond3A_254 : i32
          scf.if %cond3A_255 {
            %dma_start3A_261 = arith.constant 0 : i32
            %dma_start3A_262 = tpu.memref_slice %arg7[%sub3A_250, %dma_start3A_261] : memref<25x80xi32, #tpu.memory_space<vmem>> -> memref<1x80xi32, #tpu.memory_space<vmem>>
            %dma_start3A_263 = tpu.memref_squeeze %dma_start3A_262 : memref<1x80xi32, #tpu.memory_space<vmem>> -> memref<80xi32, #tpu.memory_space<vmem>>
            %dma_start3A_264 = arith.constant 0 : i32
            %dma_start3A_265 = arith.constant 0 : i32
            %dma_start3A_266 = tpu.memref_slice %arg2[%dma_start3A_264, %dma_start3A_265] : memref<10000x128xf32, #tpu.memory_space<hbm>> -> memref<10000x128xf32, #tpu.memory_space<hbm>>
            tpu.enqueue_indirect_dma source(%dma_start3A_266 : memref<10000x128xf32, #tpu.memory_space<hbm>>) target(%arg9 : memref<80x128xf32, #tpu.memory_space<vmem>>) offsets(%dma_start3A_263 : memref<80xi32, #tpu.memory_space<vmem>>) semaphore(%arg13 : memref<!tpu.dma_semaphore, #tpu.memory_space<semaphore_mem>>)
          } else {
          }
          %eq3A_256 = arith.constant 1 : i32
          %eq3A_257 = arith.cmpi eq, %arg0, %eq3A_256 : i32
          %convert_element_type3A_258 = arith.extui %eq3A_257 : i1 to i32
          %cond3A_259 = arith.constant 0 : i32
          %cond3A_260 = arith.cmpi ne, %convert_element_type3A_258, %cond3A_259 : i32
          scf.if %cond3A_260 {
            %dma_start3A_261 = arith.constant 0 : i32
            %dma_start3A_262 = tpu.memref_slice %arg7[%sub3A_250, %dma_start3A_261] : memref<25x80xi32, #tpu.memory_space<vmem>> -> memref<1x80xi32, #tpu.memory_space<vmem>>
            %dma_start3A_263 = tpu.memref_squeeze %dma_start3A_262 : memref<1x80xi32, #tpu.memory_space<vmem>> -> memref<80xi32, #tpu.memory_space<vmem>>
            %dma_start3A_264 = arith.constant 0 : i32
            %dma_start3A_265 = arith.constant 0 : i32
            %dma_start3A_266 = tpu.memref_slice %arg3[%dma_start3A_264, %dma_start3A_265] : memref<10000x128xf32, #tpu.memory_space<hbm>> -> memref<10000x128xf32, #tpu.memory_space<hbm>>
            tpu.enqueue_indirect_dma source(%dma_start3A_266 : memref<10000x128xf32, #tpu.memory_space<hbm>>) target(%arg9 : memref<80x128xf32, #tpu.memory_space<vmem>>) offsets(%dma_start3A_263 : memref<80xi32, #tpu.memory_space<vmem>>) semaphore(%arg13 : memref<!tpu.dma_semaphore, #tpu.memory_space<semaphore_mem>>)
          } else {
          }
        } else {
        }
        %dma_start3A_211 = arith.constant 0 : i32
        %dma_start3A_212 = tpu.memref_slice %arg8[%add3A_190, %dma_start3A_211] : memref<25x80xi32, #tpu.memory_space<vmem>> -> memref<1x80xi32, #tpu.memory_space<vmem>>
        %dma_start3A_213 = tpu.memref_squeeze %dma_start3A_212 : memref<1x80xi32, #tpu.memory_space<vmem>> -> memref<80xi32, #tpu.memory_space<vmem>>
        %dma_start3A_214 = arith.constant 0 : i32
        %dma_start3A_215 = arith.constant 0 : i32
        %dma_start3A_216 = tpu.memref_slice %arg12[%dma_start3A_214, %dma_start3A_215] : memref<10000x128xf32, #tpu.memory_space<vmem_shared>> -> memref<10000x128xf32, #tpu.memory_space<vmem_shared>>
        tpu.enqueue_indirect_dma source(%arg10 : memref<80x128xf32, #tpu.memory_space<vmem>>) target(%dma_start3A_216 : memref<10000x128xf32, #tpu.memory_space<vmem_shared>>) offsets(%dma_start3A_213 : memref<80xi32, #tpu.memory_space<vmem>>) semaphore(%arg15 : memref<!tpu.dma_semaphore, #tpu.memory_space<semaphore_mem>>) {add = true}
        %mul3A_217 = arith.constant 6 : i32
        %mul3A_218 = arith.muli %mul3A_217, %scan3A_69 : i32
        %add3A_219 = arith.constant 5 : i32
        %add3A_220 = arith.addi %mul3A_218, %add3A_219 : i32
        %gt3A_221 = arith.constant 0 : i32
        %gt3A_222 = arith.cmpi sgt, %add3A_220, %gt3A_221 : i32
        %convert_element_type3A_223 = arith.extui %gt3A_222 : i1 to i32
        %cond3A_224 = arith.constant 0 : i32
        %cond3A_225 = arith.cmpi ne, %convert_element_type3A_223, %cond3A_224 : i32
        scf.if %cond3A_225 {
          %dma_wait3A_247 = arith.constant 0 : i32
          %dma_wait3A_248 = arith.constant 0 : i32
          %dma_wait3A_249 = tpu.memref_slice %arg5[%dma_wait3A_247, %dma_wait3A_248] : memref<10000x128xf32, #tpu.memory_space<hbm>> -> memref<80x128xf32, #tpu.memory_space<hbm>>
          %dma_wait3A_250 = arith.constant 0 : i32
          %dma_wait3A_251 = arith.constant 0 : i32
          %dma_wait3A_252 = tpu.memref_slice %arg5[%dma_wait3A_250, %dma_wait3A_251] : memref<10000x128xf32, #tpu.memory_space<hbm>> -> memref<80x128xf32, #tpu.memory_space<hbm>>
          tpu.wait_dma2 semaphore(%arg15 : memref<!tpu.dma_semaphore, #tpu.memory_space<semaphore_mem>>) src(%dma_wait3A_252 : memref<80x128xf32, #tpu.memory_space<hbm>>) dst(%arg11 : memref<80x128xf32, #tpu.memory_space<vmem>>)
        } else {
        }
        %dma_wait3A_226 = arith.constant 0 : i32
        %dma_wait3A_227 = arith.constant 0 : i32
        %dma_wait3A_228 = tpu.memref_slice %arg5[%dma_wait3A_226, %dma_wait3A_227] : memref<10000x128xf32, #tpu.memory_space<hbm>> -> memref<80x128xf32, #tpu.memory_space<hbm>>
        %dma_wait3A_229 = arith.constant 0 : i32
        %dma_wait3A_230 = arith.constant 0 : i32
        %dma_wait3A_231 = tpu.memref_slice %arg5[%dma_wait3A_229, %dma_wait3A_230] : memref<10000x128xf32, #tpu.memory_space<hbm>> -> memref<80x128xf32, #tpu.memory_space<hbm>>
        tpu.wait_dma2 semaphore(%arg14 : memref<!tpu.dma_semaphore, #tpu.memory_space<semaphore_mem>>) src(%dma_wait3A_231 : memref<80x128xf32, #tpu.memory_space<hbm>>) dst(%arg11 : memref<80x128xf32, #tpu.memory_space<vmem>>)
        %add3A_232 = arith.constant 3 : i32
        %add3A_233 = arith.addi %add3A_220, %add3A_232 : i32
        %sub3A_234 = arith.constant 1 : i32
        %sub3A_235 = arith.subi %add3A_233, %sub3A_234 : i32
        %lt3A_236 = arith.constant 25 : i32
        %lt3A_237 = arith.cmpi slt, %sub3A_235, %lt3A_236 : i32
        %convert_element_type3A_238 = arith.extui %lt3A_237 : i1 to i32
        %cond3A_239 = arith.constant 0 : i32
        %cond3A_240 = arith.cmpi ne, %convert_element_type3A_238, %cond3A_239 : i32
        scf.if %cond3A_240 {
          %add3A_247 = arith.constant 3 : i32
          %add3A_248 = arith.addi %add3A_220, %add3A_247 : i32
          %sub3A_249 = arith.constant 1 : i32
          %sub3A_250 = arith.subi %add3A_248, %sub3A_249 : i32
          %eq3A_251 = arith.constant 0 : i32
          %eq3A_252 = arith.cmpi eq, %arg0, %eq3A_251 : i32
          %convert_element_type3A_253 = arith.extui %eq3A_252 : i1 to i32
          %cond3A_254 = arith.constant 0 : i32
          %cond3A_255 = arith.cmpi ne, %convert_element_type3A_253, %cond3A_254 : i32
          scf.if %cond3A_255 {
            %dma_start3A_261 = arith.constant 0 : i32
            %dma_start3A_262 = tpu.memref_slice %arg7[%sub3A_250, %dma_start3A_261] : memref<25x80xi32, #tpu.memory_space<vmem>> -> memref<1x80xi32, #tpu.memory_space<vmem>>
            %dma_start3A_263 = tpu.memref_squeeze %dma_start3A_262 : memref<1x80xi32, #tpu.memory_space<vmem>> -> memref<80xi32, #tpu.memory_space<vmem>>
            %dma_start3A_264 = arith.constant 0 : i32
            %dma_start3A_265 = arith.constant 0 : i32
            %dma_start3A_266 = tpu.memref_slice %arg2[%dma_start3A_264, %dma_start3A_265] : memref<10000x128xf32, #tpu.memory_space<hbm>> -> memref<10000x128xf32, #tpu.memory_space<hbm>>
            tpu.enqueue_indirect_dma source(%dma_start3A_266 : memref<10000x128xf32, #tpu.memory_space<hbm>>) target(%arg10 : memref<80x128xf32, #tpu.memory_space<vmem>>) offsets(%dma_start3A_263 : memref<80xi32, #tpu.memory_space<vmem>>) semaphore(%arg14 : memref<!tpu.dma_semaphore, #tpu.memory_space<semaphore_mem>>)
          } else {
          }
          %eq3A_256 = arith.constant 1 : i32
          %eq3A_257 = arith.cmpi eq, %arg0, %eq3A_256 : i32
          %convert_element_type3A_258 = arith.extui %eq3A_257 : i1 to i32
          %cond3A_259 = arith.constant 0 : i32
          %cond3A_260 = arith.cmpi ne, %convert_element_type3A_258, %cond3A_259 : i32
          scf.if %cond3A_260 {
            %dma_start3A_261 = arith.constant 0 : i32
            %dma_start3A_262 = tpu.memref_slice %arg7[%sub3A_250, %dma_start3A_261] : memref<25x80xi32, #tpu.memory_space<vmem>> -> memref<1x80xi32, #tpu.memory_space<vmem>>
            %dma_start3A_263 = tpu.memref_squeeze %dma_start3A_262 : memref<1x80xi32, #tpu.memory_space<vmem>> -> memref<80xi32, #tpu.memory_space<vmem>>
            %dma_start3A_264 = arith.constant 0 : i32
            %dma_start3A_265 = arith.constant 0 : i32
            %dma_start3A_266 = tpu.memref_slice %arg3[%dma_start3A_264, %dma_start3A_265] : memref<10000x128xf32, #tpu.memory_space<hbm>> -> memref<10000x128xf32, #tpu.memory_space<hbm>>
            tpu.enqueue_indirect_dma source(%dma_start3A_266 : memref<10000x128xf32, #tpu.memory_space<hbm>>) target(%arg10 : memref<80x128xf32, #tpu.memory_space<vmem>>) offsets(%dma_start3A_263 : memref<80xi32, #tpu.memory_space<vmem>>) semaphore(%arg14 : memref<!tpu.dma_semaphore, #tpu.memory_space<semaphore_mem>>)
          } else {
          }
        } else {
        }
        %dma_start3A_241 = arith.constant 0 : i32
        %dma_start3A_242 = tpu.memref_slice %arg8[%add3A_220, %dma_start3A_241] : memref<25x80xi32, #tpu.memory_space<vmem>> -> memref<1x80xi32, #tpu.memory_space<vmem>>
        %dma_start3A_243 = tpu.memref_squeeze %dma_start3A_242 : memref<1x80xi32, #tpu.memory_space<vmem>> -> memref<80xi32, #tpu.memory_space<vmem>>
        %dma_start3A_244 = arith.constant 0 : i32
        %dma_start3A_245 = arith.constant 0 : i32
        %dma_start3A_246 = tpu.memref_slice %arg12[%dma_start3A_244, %dma_start3A_245] : memref<10000x128xf32, #tpu.memory_space<vmem_shared>> -> memref<10000x128xf32, #tpu.memory_space<vmem_shared>>
        tpu.enqueue_indirect_dma source(%arg11 : memref<80x128xf32, #tpu.memory_space<vmem>>) target(%dma_start3A_246 : memref<10000x128xf32, #tpu.memory_space<vmem_shared>>) offsets(%dma_start3A_243 : memref<80xi32, #tpu.memory_space<vmem>>) semaphore(%arg15 : memref<!tpu.dma_semaphore, #tpu.memory_space<semaphore_mem>>) {add = true}
      }
      %scan3A_45 = arith.constant 4 : i32
      %dma_wait3A = arith.constant 0 : i32
      %dma_wait3A_46 = arith.constant 0 : i32
      %dma_wait3A_47 = tpu.memref_slice %arg5[%dma_wait3A, %dma_wait3A_46] : memref<10000x128xf32, #tpu.memory_space<hbm>> -> memref<80x128xf32, #tpu.memory_space<hbm>>
      %dma_wait3A_48 = arith.constant 0 : i32
      %dma_wait3A_49 = arith.constant 0 : i32
      %dma_wait3A_50 = tpu.memref_slice %arg5[%dma_wait3A_48, %dma_wait3A_49] : memref<10000x128xf32, #tpu.memory_space<hbm>> -> memref<80x128xf32, #tpu.memory_space<hbm>>
      tpu.wait_dma2 semaphore(%arg15 : memref<!tpu.dma_semaphore, #tpu.memory_space<semaphore_mem>>) src(%dma_wait3A_50 : memref<80x128xf32, #tpu.memory_space<hbm>>) dst(%arg9 : memref<80x128xf32, #tpu.memory_space<vmem>>)
      %dma_wait3A_51 = arith.constant 0 : i32
      %dma_wait3A_52 = arith.constant 0 : i32
      %dma_wait3A_53 = tpu.memref_slice %arg5[%dma_wait3A_51, %dma_wait3A_52] : memref<10000x128xf32, #tpu.memory_space<hbm>> -> memref<80x128xf32, #tpu.memory_space<hbm>>
      %dma_wait3A_54 = arith.constant 0 : i32
      %dma_wait3A_55 = arith.constant 0 : i32
      %dma_wait3A_56 = tpu.memref_slice %arg5[%dma_wait3A_54, %dma_wait3A_55] : memref<10000x128xf32, #tpu.memory_space<hbm>> -> memref<80x128xf32, #tpu.memory_space<hbm>>
      tpu.wait_dma2 semaphore(%arg13 : memref<!tpu.dma_semaphore, #tpu.memory_space<semaphore_mem>>) src(%dma_wait3A_56 : memref<80x128xf32, #tpu.memory_space<hbm>>) dst(%arg9 : memref<80x128xf32, #tpu.memory_space<vmem>>)
      %dma_start3A = arith.constant 24 : i32
      %dma_start3A_57 = arith.constant 0 : i32
      %dma_start3A_58 = tpu.memref_slice %arg8[%dma_start3A, %dma_start3A_57] : memref<25x80xi32, #tpu.memory_space<vmem>> -> memref<1x80xi32, #tpu.memory_space<vmem>>
      %dma_start3A_59 = tpu.memref_squeeze %dma_start3A_58 : memref<1x80xi32, #tpu.memory_space<vmem>> -> memref<80xi32, #tpu.memory_space<vmem>>
      %dma_start3A_60 = arith.constant 0 : i32
      %dma_start3A_61 = arith.constant 0 : i32
      %dma_start3A_62 = tpu.memref_slice %arg12[%dma_start3A_60, %dma_start3A_61] : memref<10000x128xf32, #tpu.memory_space<vmem_shared>> -> memref<10000x128xf32, #tpu.memory_space<vmem_shared>>
      tpu.enqueue_indirect_dma source(%arg9 : memref<80x128xf32, #tpu.memory_space<vmem>>) target(%dma_start3A_62 : memref<10000x128xf32, #tpu.memory_space<vmem_shared>>) offsets(%dma_start3A_59 : memref<80xi32, #tpu.memory_space<vmem>>) semaphore(%arg15 : memref<!tpu.dma_semaphore, #tpu.memory_space<semaphore_mem>>) {add = true}
      %dma_wait3A_63 = arith.constant 0 : i32
      %dma_wait3A_64 = arith.constant 0 : i32
      %dma_wait3A_65 = tpu.memref_slice %arg5[%dma_wait3A_63, %dma_wait3A_64] : memref<10000x128xf32, #tpu.memory_space<hbm>> -> memref<80x128xf32, #tpu.memory_space<hbm>>
      %dma_wait3A_66 = arith.constant 0 : i32
      %dma_wait3A_67 = arith.constant 0 : i32
      %dma_wait3A_68 = tpu.memref_slice %arg5[%dma_wait3A_66, %dma_wait3A_67] : memref<10000x128xf32, #tpu.memory_space<hbm>> -> memref<80x128xf32, #tpu.memory_space<hbm>>
      tpu.wait_dma2 semaphore(%arg15 : memref<!tpu.dma_semaphore, #tpu.memory_space<semaphore_mem>>) src(%dma_wait3A_68 : memref<80x128xf32, #tpu.memory_space<hbm>>) dst(%arg9 : memref<80x128xf32, #tpu.memory_space<vmem>>)
    }
    %scan3A_5 = arith.constant 10 : i32
    %barrier3A_6 = arith.constant 0 : index
    tpu.barrier barrier_id(%barrier3A_6)
    %mul3A_7 = arith.constant 10000 : i32
    %mul3A_8 = arith.muli %arg0, %mul3A_7 : i32
    %mul3A_9 = arith.constant 624 : i32
    %mul3A_10 = arith.muli %arg1, %mul3A_9 : i32
    %add3A = arith.addi %mul3A_8, %mul3A_10 : i32
    "tpu.region"() ({
      %run_scoped3A = tpu.sem_alloc : memref<!tpu.dma_semaphore, #tpu.memory_space<semaphore_mem>>
      %dma_start3A = arith.constant 0 : i32
      %dma_start3A_11 = tpu.memref_slice %arg6[%add3A, %dma_start3A] : memref<20000x128xf32, #tpu.memory_space<hbm>> -> memref<640x128xf32, #tpu.memory_space<hbm>>
      %dma_start3A_12 = arith.constant 0 : i32
      %dma_start3A_13 = tpu.memref_slice %arg12[%mul3A_0, %dma_start3A_12] : memref<10000x128xf32, #tpu.memory_space<vmem_shared>> -> memref<640x128xf32, #tpu.memory_space<vmem_shared>>
      tpu.enqueue_dma source(%dma_start3A_13 : memref<640x128xf32, #tpu.memory_space<vmem_shared>>) target(%dma_start3A_11 : memref<640x128xf32, #tpu.memory_space<hbm>>) target_semaphore(%run_scoped3A : memref<!tpu.dma_semaphore, #tpu.memory_space<semaphore_mem>>)
      %dma_wait3A = arith.constant 0 : i32
      %dma_wait3A_14 = tpu.memref_slice %arg6[%add3A, %dma_wait3A] : memref<20000x128xf32, #tpu.memory_space<hbm>> -> memref<640x128xf32, #tpu.memory_space<hbm>>
      %dma_wait3A_15 = arith.constant 0 : i32
      %dma_wait3A_16 = tpu.memref_slice %arg12[%mul3A_0, %dma_wait3A_15] : memref<10000x128xf32, #tpu.memory_space<vmem_shared>> -> memref<640x128xf32, #tpu.memory_space<vmem_shared>>
      tpu.wait_dma2 semaphore(%run_scoped3A : memref<!tpu.dma_semaphore, #tpu.memory_space<semaphore_mem>>) src(%dma_wait3A_16 : memref<640x128xf32, #tpu.memory_space<vmem_shared>>) dst(%dma_wait3A_14 : memref<640x128xf32, #tpu.memory_space<hbm>>)
      tpu.yield
    }) : () -> ()
    return
  }
}

#map = affine_map<(d0, d1) -> (0, 0)>
#map1 = affine_map<(d0, d1) -> (0, 0, 0, 0)>
#map2 = affine_map<(d0, d1) -> (0)>
module attributes {stable_mosaic.version = 14 : i64} {
  func.func @_sc_agg0(%arg0: i32, %arg1: i32, %arg2: memref<10000x128xf32, #tpu.memory_space<hbm>>, %arg3: memref<2x160x25x80xi32, #tpu.memory_space<hbm>>, %arg4: memref<10000x128xf32, #tpu.memory_space<hbm>>, %arg5: memref<10000xf32, #tpu.memory_space<hbm>>, %arg6: memref<20000x128xf32, #tpu.memory_space<hbm>>, %arg7: memref<32x10000xf32, #tpu.memory_space<hbm>>, %arg8: memref<25x80xi32, #tpu.memory_space<vmem>>, %arg9: memref<25x80xi32, #tpu.memory_space<vmem>>, %arg10: memref<80x128xf32, #tpu.memory_space<vmem>>, %arg11: memref<80x128xf32, #tpu.memory_space<vmem>>, %arg12: memref<80x128xf32, #tpu.memory_space<vmem>>, %arg13: memref<10000xf32, #tpu.memory_space<vmem>>, %arg14: memref<10000x128xf32, #tpu.memory_space<vmem_shared>>, %arg15: memref<!tpu.dma_semaphore, #tpu.memory_space<semaphore_mem>>, %arg16: memref<!tpu.dma_semaphore, #tpu.memory_space<semaphore_mem>>, %arg17: memref<!tpu.dma_semaphore, #tpu.memory_space<semaphore_mem>>) attributes {dimension_semantics = [#tpu.dimension_semantics<core_parallel>, #tpu.dimension_semantics<subcore_parallel>], iteration_bounds = array<i64: 2, 16>, scalar_prefetch = 0 : i64, scratch_operands = 10 : i64, tpu.core_type = #tpu.core_type<sc_vector_subcore>, window_params = [{transform_indices = #map}, {transform_indices = #map1}, {transform_indices = #map}, {transform_indices = #map2}, {transform_indices = #map}, {transform_indices = #map}]} {
    %mul3A = arith.constant 16 : i32
    %mul3A_0 = arith.muli %arg0, %mul3A : i32
    %add3A = arith.addi %mul3A_0, %arg1 : i32
    "tpu.region"() ({
      %run_scoped3A = tpu.sem_alloc : memref<!tpu.dma_semaphore, #tpu.memory_space<semaphore_mem>>
      tpu.enqueue_dma source(%arg5 : memref<10000xf32, #tpu.memory_space<hbm>>) target(%arg13 : memref<10000xf32, #tpu.memory_space<vmem>>) target_semaphore(%run_scoped3A : memref<!tpu.dma_semaphore, #tpu.memory_space<semaphore_mem>>)
      tpu.wait_dma2 semaphore(%run_scoped3A : memref<!tpu.dma_semaphore, #tpu.memory_space<semaphore_mem>>) src(%arg5 : memref<10000xf32, #tpu.memory_space<hbm>>) dst(%arg13 : memref<10000xf32, #tpu.memory_space<vmem>>)
      tpu.yield
    }) : () -> ()
    %mul3A_1 = arith.constant 624 : i32
    %mul3A_2 = arith.muli %arg1, %mul3A_1 : i32
    "tpu.region"() ({
      %run_scoped3A = tpu.sem_alloc : memref<!tpu.dma_semaphore, #tpu.memory_space<semaphore_mem>>
      %dma_start3A = arith.constant 0 : i32
      %dma_start3A_14 = tpu.memref_slice %arg14[%mul3A_2, %dma_start3A] : memref<10000x128xf32, #tpu.memory_space<vmem_shared>> -> memref<640x128xf32, #tpu.memory_space<vmem_shared>>
      %dma_start3A_15 = arith.constant 0 : i32
      %dma_start3A_16 = tpu.memref_slice %arg4[%mul3A_2, %dma_start3A_15] : memref<10000x128xf32, #tpu.memory_space<hbm>> -> memref<640x128xf32, #tpu.memory_space<hbm>>
      tpu.enqueue_dma source(%dma_start3A_16 : memref<640x128xf32, #tpu.memory_space<hbm>>) target(%dma_start3A_14 : memref<640x128xf32, #tpu.memory_space<vmem_shared>>) target_semaphore(%run_scoped3A : memref<!tpu.dma_semaphore, #tpu.memory_space<semaphore_mem>>)
      %dma_wait3A = arith.constant 0 : i32
      %dma_wait3A_17 = tpu.memref_slice %arg14[%mul3A_2, %dma_wait3A] : memref<10000x128xf32, #tpu.memory_space<vmem_shared>> -> memref<640x128xf32, #tpu.memory_space<vmem_shared>>
      %dma_wait3A_18 = arith.constant 0 : i32
      %dma_wait3A_19 = tpu.memref_slice %arg4[%mul3A_2, %dma_wait3A_18] : memref<10000x128xf32, #tpu.memory_space<hbm>> -> memref<640x128xf32, #tpu.memory_space<hbm>>
      tpu.wait_dma2 semaphore(%run_scoped3A : memref<!tpu.dma_semaphore, #tpu.memory_space<semaphore_mem>>) src(%dma_wait3A_19 : memref<640x128xf32, #tpu.memory_space<hbm>>) dst(%dma_wait3A_17 : memref<640x128xf32, #tpu.memory_space<vmem_shared>>)
      tpu.yield
    }) : () -> ()
    %barrier3A = arith.constant 0 : index
    tpu.barrier barrier_id(%barrier3A)
    %scan3A = arith.constant 0 : i32
    %scan3A_3 = arith.constant 0 : i32
    %scan3A_4 = arith.constant 5 : i32
    %scan3A_5 = arith.addi %scan3A_3, %scan3A_4 : i32
    %scan3A_6 = arith.constant 1 : i32
    scf.for %scan3A_14 = %scan3A_3 to %scan3A_5 step %scan3A_6  : i32 {
      %mul3A_15 = arith.constant 5 : i32
      %mul3A_16 = arith.muli %mul3A_15, %add3A : i32
      %add3A_17 = arith.addi %mul3A_16, %scan3A_14 : i32
      %run_scoped3A = arith.constant 1 : i32
      "tpu.region"() ({
        %run_scoped3A_85 = tpu.sem_alloc : memref<!tpu.dma_semaphore, #tpu.memory_space<semaphore_mem>>
        %dma_start3A_86 = arith.constant 0 : i32
        %dma_start3A_87 = arith.constant 0 : i32
        %dma_start3A_88 = tpu.memref_slice %arg3[%run_scoped3A, %add3A_17, %dma_start3A_86, %dma_start3A_87] : memref<2x160x25x80xi32, #tpu.memory_space<hbm>> -> memref<1x1x25x80xi32, #tpu.memory_space<hbm>>
        %dma_start3A_89 = tpu.memref_squeeze %dma_start3A_88 : memref<1x1x25x80xi32, #tpu.memory_space<hbm>> -> memref<25x80xi32, #tpu.memory_space<hbm>>
        %dma_start3A_90 = arith.constant 0 : i32
        %dma_start3A_91 = arith.constant 0 : i32
        %dma_start3A_92 = tpu.memref_slice %arg3[%run_scoped3A, %add3A_17, %dma_start3A_90, %dma_start3A_91] : memref<2x160x25x80xi32, #tpu.memory_space<hbm>> -> memref<1x1x25x80xi32, #tpu.memory_space<hbm>>
        %dma_start3A_93 = tpu.memref_squeeze %dma_start3A_92 : memref<1x1x25x80xi32, #tpu.memory_space<hbm>> -> memref<25x80xi32, #tpu.memory_space<hbm>>
        tpu.enqueue_dma source(%dma_start3A_93 : memref<25x80xi32, #tpu.memory_space<hbm>>) target(%arg8 : memref<25x80xi32, #tpu.memory_space<vmem>>) target_semaphore(%run_scoped3A_85 : memref<!tpu.dma_semaphore, #tpu.memory_space<semaphore_mem>>)
        %dma_wait3A_94 = arith.constant 0 : i32
        %dma_wait3A_95 = arith.constant 0 : i32
        %dma_wait3A_96 = tpu.memref_slice %arg3[%run_scoped3A, %add3A_17, %dma_wait3A_94, %dma_wait3A_95] : memref<2x160x25x80xi32, #tpu.memory_space<hbm>> -> memref<1x1x25x80xi32, #tpu.memory_space<hbm>>
        %dma_wait3A_97 = tpu.memref_squeeze %dma_wait3A_96 : memref<1x1x25x80xi32, #tpu.memory_space<hbm>> -> memref<25x80xi32, #tpu.memory_space<hbm>>
        %dma_wait3A_98 = arith.constant 0 : i32
        %dma_wait3A_99 = arith.constant 0 : i32
        %dma_wait3A_100 = tpu.memref_slice %arg3[%run_scoped3A, %add3A_17, %dma_wait3A_98, %dma_wait3A_99] : memref<2x160x25x80xi32, #tpu.memory_space<hbm>> -> memref<1x1x25x80xi32, #tpu.memory_space<hbm>>
        %dma_wait3A_101 = tpu.memref_squeeze %dma_wait3A_100 : memref<1x1x25x80xi32, #tpu.memory_space<hbm>> -> memref<25x80xi32, #tpu.memory_space<hbm>>
        tpu.wait_dma2 semaphore(%run_scoped3A_85 : memref<!tpu.dma_semaphore, #tpu.memory_space<semaphore_mem>>) src(%dma_wait3A_101 : memref<25x80xi32, #tpu.memory_space<hbm>>) dst(%arg8 : memref<25x80xi32, #tpu.memory_space<vmem>>)
        tpu.yield
      }) : () -> ()
      %mul3A_18 = arith.constant 5 : i32
      %mul3A_19 = arith.muli %mul3A_18, %add3A : i32
      %add3A_20 = arith.addi %mul3A_19, %scan3A_14 : i32
      %run_scoped3A_21 = arith.constant 0 : i32
      "tpu.region"() ({
        %run_scoped3A_85 = tpu.sem_alloc : memref<!tpu.dma_semaphore, #tpu.memory_space<semaphore_mem>>
        %dma_start3A_86 = arith.constant 0 : i32
        %dma_start3A_87 = arith.constant 0 : i32
        %dma_start3A_88 = tpu.memref_slice %arg3[%run_scoped3A_21, %add3A_20, %dma_start3A_86, %dma_start3A_87] : memref<2x160x25x80xi32, #tpu.memory_space<hbm>> -> memref<1x1x25x80xi32, #tpu.memory_space<hbm>>
        %dma_start3A_89 = tpu.memref_squeeze %dma_start3A_88 : memref<1x1x25x80xi32, #tpu.memory_space<hbm>> -> memref<25x80xi32, #tpu.memory_space<hbm>>
        %dma_start3A_90 = arith.constant 0 : i32
        %dma_start3A_91 = arith.constant 0 : i32
        %dma_start3A_92 = tpu.memref_slice %arg3[%run_scoped3A_21, %add3A_20, %dma_start3A_90, %dma_start3A_91] : memref<2x160x25x80xi32, #tpu.memory_space<hbm>> -> memref<1x1x25x80xi32, #tpu.memory_space<hbm>>
        %dma_start3A_93 = tpu.memref_squeeze %dma_start3A_92 : memref<1x1x25x80xi32, #tpu.memory_space<hbm>> -> memref<25x80xi32, #tpu.memory_space<hbm>>
        tpu.enqueue_dma source(%dma_start3A_93 : memref<25x80xi32, #tpu.memory_space<hbm>>) target(%arg9 : memref<25x80xi32, #tpu.memory_space<vmem>>) target_semaphore(%run_scoped3A_85 : memref<!tpu.dma_semaphore, #tpu.memory_space<semaphore_mem>>)
        %dma_wait3A_94 = arith.constant 0 : i32
        %dma_wait3A_95 = arith.constant 0 : i32
        %dma_wait3A_96 = tpu.memref_slice %arg3[%run_scoped3A_21, %add3A_20, %dma_wait3A_94, %dma_wait3A_95] : memref<2x160x25x80xi32, #tpu.memory_space<hbm>> -> memref<1x1x25x80xi32, #tpu.memory_space<hbm>>
        %dma_wait3A_97 = tpu.memref_squeeze %dma_wait3A_96 : memref<1x1x25x80xi32, #tpu.memory_space<hbm>> -> memref<25x80xi32, #tpu.memory_space<hbm>>
        %dma_wait3A_98 = arith.constant 0 : i32
        %dma_wait3A_99 = arith.constant 0 : i32
        %dma_wait3A_100 = tpu.memref_slice %arg3[%run_scoped3A_21, %add3A_20, %dma_wait3A_98, %dma_wait3A_99] : memref<2x160x25x80xi32, #tpu.memory_space<hbm>> -> memref<1x1x25x80xi32, #tpu.memory_space<hbm>>
        %dma_wait3A_101 = tpu.memref_squeeze %dma_wait3A_100 : memref<1x1x25x80xi32, #tpu.memory_space<hbm>> -> memref<25x80xi32, #tpu.memory_space<hbm>>
        tpu.wait_dma2 semaphore(%run_scoped3A_85 : memref<!tpu.dma_semaphore, #tpu.memory_space<semaphore_mem>>) src(%dma_wait3A_101 : memref<25x80xi32, #tpu.memory_space<hbm>>) dst(%arg9 : memref<25x80xi32, #tpu.memory_space<vmem>>)
        tpu.yield
      }) : () -> ()
      %dma_start3A = arith.constant 0 : i32
      %dma_start3A_22 = arith.constant 0 : i32
      %dma_start3A_23 = tpu.memref_slice %arg8[%dma_start3A, %dma_start3A_22] : memref<25x80xi32, #tpu.memory_space<vmem>> -> memref<1x80xi32, #tpu.memory_space<vmem>>
      %dma_start3A_24 = tpu.memref_squeeze %dma_start3A_23 : memref<1x80xi32, #tpu.memory_space<vmem>> -> memref<80xi32, #tpu.memory_space<vmem>>
      %dma_start3A_25 = arith.constant 0 : i32
      %dma_start3A_26 = arith.constant 0 : i32
      %dma_start3A_27 = tpu.memref_slice %arg2[%dma_start3A_25, %dma_start3A_26] : memref<10000x128xf32, #tpu.memory_space<hbm>> -> memref<10000x128xf32, #tpu.memory_space<hbm>>
      tpu.enqueue_indirect_dma source(%dma_start3A_27 : memref<10000x128xf32, #tpu.memory_space<hbm>>) target(%arg10 : memref<80x128xf32, #tpu.memory_space<vmem>>) offsets(%dma_start3A_24 : memref<80xi32, #tpu.memory_space<vmem>>) semaphore(%arg15 : memref<!tpu.dma_semaphore, #tpu.memory_space<semaphore_mem>>)
      %dma_start3A_28 = arith.constant 1 : i32
      %dma_start3A_29 = arith.constant 0 : i32
      %dma_start3A_30 = tpu.memref_slice %arg8[%dma_start3A_28, %dma_start3A_29] : memref<25x80xi32, #tpu.memory_space<vmem>> -> memref<1x80xi32, #tpu.memory_space<vmem>>
      %dma_start3A_31 = tpu.memref_squeeze %dma_start3A_30 : memref<1x80xi32, #tpu.memory_space<vmem>> -> memref<80xi32, #tpu.memory_space<vmem>>
      %dma_start3A_32 = arith.constant 0 : i32
      %dma_start3A_33 = arith.constant 0 : i32
      %dma_start3A_34 = tpu.memref_slice %arg2[%dma_start3A_32, %dma_start3A_33] : memref<10000x128xf32, #tpu.memory_space<hbm>> -> memref<10000x128xf32, #tpu.memory_space<hbm>>
      tpu.enqueue_indirect_dma source(%dma_start3A_34 : memref<10000x128xf32, #tpu.memory_space<hbm>>) target(%arg11 : memref<80x128xf32, #tpu.memory_space<vmem>>) offsets(%dma_start3A_31 : memref<80xi32, #tpu.memory_space<vmem>>) semaphore(%arg16 : memref<!tpu.dma_semaphore, #tpu.memory_space<semaphore_mem>>)
      %scan3A_35 = arith.constant 0 : i32
      %scan3A_36 = arith.constant 0 : i32
      %scan3A_37 = arith.constant 4 : i32
      %scan3A_38 = arith.addi %scan3A_36, %scan3A_37 : i32
      %scan3A_39 = arith.constant 1 : i32
      scf.for %scan3A_85 = %scan3A_36 to %scan3A_38 step %scan3A_39  : i32 {
        %mul3A_86 = arith.constant 6 : i32
        %mul3A_87 = arith.muli %mul3A_86, %scan3A_85 : i32
        %add3A_88 = arith.constant 0 : i32
        %add3A_89 = arith.addi %mul3A_87, %add3A_88 : i32
        %gt3A = arith.constant 0 : i32
        %gt3A_90 = arith.cmpi sgt, %add3A_89, %gt3A : i32
        %convert_element_type3A = arith.extui %gt3A_90 : i1 to i32
        %cond3A = arith.constant 0 : i32
        %cond3A_91 = arith.cmpi ne, %convert_element_type3A, %cond3A : i32
        scf.if %cond3A_91 {
          %dma_wait3A_363 = arith.constant 0 : i32
          %dma_wait3A_364 = arith.constant 0 : i32
          %dma_wait3A_365 = tpu.memref_slice %arg4[%dma_wait3A_363, %dma_wait3A_364] : memref<10000x128xf32, #tpu.memory_space<hbm>> -> memref<80x128xf32, #tpu.memory_space<hbm>>
          %dma_wait3A_366 = arith.constant 0 : i32
          %dma_wait3A_367 = arith.constant 0 : i32
          %dma_wait3A_368 = tpu.memref_slice %arg4[%dma_wait3A_366, %dma_wait3A_367] : memref<10000x128xf32, #tpu.memory_space<hbm>> -> memref<80x128xf32, #tpu.memory_space<hbm>>
          tpu.wait_dma2 semaphore(%arg17 : memref<!tpu.dma_semaphore, #tpu.memory_space<semaphore_mem>>) src(%dma_wait3A_368 : memref<80x128xf32, #tpu.memory_space<hbm>>) dst(%arg10 : memref<80x128xf32, #tpu.memory_space<vmem>>)
        } else {
        }
        %broadcast_in_dim3A_92 = arith.constant 1.000000e+00 : f32
        %broadcast_in_dim3A_93 = vector.broadcast %broadcast_in_dim3A_92 : f32 to vector<16xf32>
        %get3A_94 = arith.index_cast %add3A_89 : i32 to index
        %get3A_95 = arith.constant 0 : index
        %get3A_96 = tpu.vector_load %arg9[%get3A_94, %get3A_95] {strides = array<i32>} : memref<25x80xi32, #tpu.memory_space<vmem>>, vector<16xi32>,
        tpu.vector_store_idx %arg13[%get3A_96], %broadcast_in_dim3A_93 {add = true} : memref<10000xf32, #tpu.memory_space<vmem>>[vector<16xi32>], vector<16xf32>,
        %get3A_97 = arith.index_cast %add3A_89 : i32 to index
        %get3A_98 = arith.constant 16 : index
        %get3A_99 = tpu.vector_load %arg9[%get3A_97, %get3A_98] {strides = array<i32>} : memref<25x80xi32, #tpu.memory_space<vmem>>, vector<16xi32>,
        tpu.vector_store_idx %arg13[%get3A_99], %broadcast_in_dim3A_93 {add = true} : memref<10000xf32, #tpu.memory_space<vmem>>[vector<16xi32>], vector<16xf32>,
        %get3A_100 = arith.index_cast %add3A_89 : i32 to index
        %get3A_101 = arith.constant 32 : index
        %get3A_102 = tpu.vector_load %arg9[%get3A_100, %get3A_101] {strides = array<i32>} : memref<25x80xi32, #tpu.memory_space<vmem>>, vector<16xi32>,
        tpu.vector_store_idx %arg13[%get3A_102], %broadcast_in_dim3A_93 {add = true} : memref<10000xf32, #tpu.memory_space<vmem>>[vector<16xi32>], vector<16xf32>,
        %get3A_103 = arith.index_cast %add3A_89 : i32 to index
        %get3A_104 = arith.constant 48 : index
        %get3A_105 = tpu.vector_load %arg9[%get3A_103, %get3A_104] {strides = array<i32>} : memref<25x80xi32, #tpu.memory_space<vmem>>, vector<16xi32>,
        tpu.vector_store_idx %arg13[%get3A_105], %broadcast_in_dim3A_93 {add = true} : memref<10000xf32, #tpu.memory_space<vmem>>[vector<16xi32>], vector<16xf32>,
        %get3A_106 = arith.index_cast %add3A_89 : i32 to index
        %get3A_107 = arith.constant 64 : index
        %get3A_108 = tpu.vector_load %arg9[%get3A_106, %get3A_107] {strides = array<i32>} : memref<25x80xi32, #tpu.memory_space<vmem>>, vector<16xi32>,
        tpu.vector_store_idx %arg13[%get3A_108], %broadcast_in_dim3A_93 {add = true} : memref<10000xf32, #tpu.memory_space<vmem>>[vector<16xi32>], vector<16xf32>,
        %dma_wait3A_109 = arith.constant 0 : i32
        %dma_wait3A_110 = arith.constant 0 : i32
        %dma_wait3A_111 = tpu.memref_slice %arg4[%dma_wait3A_109, %dma_wait3A_110] : memref<10000x128xf32, #tpu.memory_space<hbm>> -> memref<80x128xf32, #tpu.memory_space<hbm>>
        %dma_wait3A_112 = arith.constant 0 : i32
        %dma_wait3A_113 = arith.constant 0 : i32
        %dma_wait3A_114 = tpu.memref_slice %arg4[%dma_wait3A_112, %dma_wait3A_113] : memref<10000x128xf32, #tpu.memory_space<hbm>> -> memref<80x128xf32, #tpu.memory_space<hbm>>
        tpu.wait_dma2 semaphore(%arg15 : memref<!tpu.dma_semaphore, #tpu.memory_space<semaphore_mem>>) src(%dma_wait3A_114 : memref<80x128xf32, #tpu.memory_space<hbm>>) dst(%arg10 : memref<80x128xf32, #tpu.memory_space<vmem>>)
        %add3A_115 = arith.constant 3 : i32
        %add3A_116 = arith.addi %add3A_89, %add3A_115 : i32
        %sub3A = arith.constant 1 : i32
        %sub3A_117 = arith.subi %add3A_116, %sub3A : i32
        %lt3A = arith.constant 25 : i32
        %lt3A_118 = arith.cmpi slt, %sub3A_117, %lt3A : i32
        %convert_element_type3A_119 = arith.extui %lt3A_118 : i1 to i32
        %cond3A_120 = arith.constant 0 : i32
        %cond3A_121 = arith.cmpi ne, %convert_element_type3A_119, %cond3A_120 : i32
        scf.if %cond3A_121 {
          %add3A_363 = arith.constant 3 : i32
          %add3A_364 = arith.addi %add3A_89, %add3A_363 : i32
          %sub3A_365 = arith.constant 1 : i32
          %sub3A_366 = arith.subi %add3A_364, %sub3A_365 : i32
          %dma_start3A_367 = arith.constant 0 : i32
          %dma_start3A_368 = tpu.memref_slice %arg8[%sub3A_366, %dma_start3A_367] : memref<25x80xi32, #tpu.memory_space<vmem>> -> memref<1x80xi32, #tpu.memory_space<vmem>>
          %dma_start3A_369 = tpu.memref_squeeze %dma_start3A_368 : memref<1x80xi32, #tpu.memory_space<vmem>> -> memref<80xi32, #tpu.memory_space<vmem>>
          %dma_start3A_370 = arith.constant 0 : i32
          %dma_start3A_371 = arith.constant 0 : i32
          %dma_start3A_372 = tpu.memref_slice %arg2[%dma_start3A_370, %dma_start3A_371] : memref<10000x128xf32, #tpu.memory_space<hbm>> -> memref<10000x128xf32, #tpu.memory_space<hbm>>
          tpu.enqueue_indirect_dma source(%dma_start3A_372 : memref<10000x128xf32, #tpu.memory_space<hbm>>) target(%arg12 : memref<80x128xf32, #tpu.memory_space<vmem>>) offsets(%dma_start3A_369 : memref<80xi32, #tpu.memory_space<vmem>>) semaphore(%arg15 : memref<!tpu.dma_semaphore, #tpu.memory_space<semaphore_mem>>)
        } else {
        }
        %dma_start3A_122 = arith.constant 0 : i32
        %dma_start3A_123 = tpu.memref_slice %arg9[%add3A_89, %dma_start3A_122] : memref<25x80xi32, #tpu.memory_space<vmem>> -> memref<1x80xi32, #tpu.memory_space<vmem>>
        %dma_start3A_124 = tpu.memref_squeeze %dma_start3A_123 : memref<1x80xi32, #tpu.memory_space<vmem>> -> memref<80xi32, #tpu.memory_space<vmem>>
        %dma_start3A_125 = arith.constant 0 : i32
        %dma_start3A_126 = arith.constant 0 : i32
        %dma_start3A_127 = tpu.memref_slice %arg14[%dma_start3A_125, %dma_start3A_126] : memref<10000x128xf32, #tpu.memory_space<vmem_shared>> -> memref<10000x128xf32, #tpu.memory_space<vmem_shared>>
        tpu.enqueue_indirect_dma source(%arg10 : memref<80x128xf32, #tpu.memory_space<vmem>>) target(%dma_start3A_127 : memref<10000x128xf32, #tpu.memory_space<vmem_shared>>) offsets(%dma_start3A_124 : memref<80xi32, #tpu.memory_space<vmem>>) semaphore(%arg17 : memref<!tpu.dma_semaphore, #tpu.memory_space<semaphore_mem>>) {add = true}
        %mul3A_128 = arith.constant 6 : i32
        %mul3A_129 = arith.muli %mul3A_128, %scan3A_85 : i32
        %add3A_130 = arith.constant 1 : i32
        %add3A_131 = arith.addi %mul3A_129, %add3A_130 : i32
        %gt3A_132 = arith.constant 0 : i32
        %gt3A_133 = arith.cmpi sgt, %add3A_131, %gt3A_132 : i32
        %convert_element_type3A_134 = arith.extui %gt3A_133 : i1 to i32
        %cond3A_135 = arith.constant 0 : i32
        %cond3A_136 = arith.cmpi ne, %convert_element_type3A_134, %cond3A_135 : i32
        scf.if %cond3A_136 {
          %dma_wait3A_363 = arith.constant 0 : i32
          %dma_wait3A_364 = arith.constant 0 : i32
          %dma_wait3A_365 = tpu.memref_slice %arg4[%dma_wait3A_363, %dma_wait3A_364] : memref<10000x128xf32, #tpu.memory_space<hbm>> -> memref<80x128xf32, #tpu.memory_space<hbm>>
          %dma_wait3A_366 = arith.constant 0 : i32
          %dma_wait3A_367 = arith.constant 0 : i32
          %dma_wait3A_368 = tpu.memref_slice %arg4[%dma_wait3A_366, %dma_wait3A_367] : memref<10000x128xf32, #tpu.memory_space<hbm>> -> memref<80x128xf32, #tpu.memory_space<hbm>>
          tpu.wait_dma2 semaphore(%arg17 : memref<!tpu.dma_semaphore, #tpu.memory_space<semaphore_mem>>) src(%dma_wait3A_368 : memref<80x128xf32, #tpu.memory_space<hbm>>) dst(%arg11 : memref<80x128xf32, #tpu.memory_space<vmem>>)
        } else {
        }
        %broadcast_in_dim3A_137 = arith.constant 1.000000e+00 : f32
        %broadcast_in_dim3A_138 = vector.broadcast %broadcast_in_dim3A_137 : f32 to vector<16xf32>
        %get3A_139 = arith.index_cast %add3A_131 : i32 to index
        %get3A_140 = arith.constant 0 : index
        %get3A_141 = tpu.vector_load %arg9[%get3A_139, %get3A_140] {strides = array<i32>} : memref<25x80xi32, #tpu.memory_space<vmem>>, vector<16xi32>,
        tpu.vector_store_idx %arg13[%get3A_141], %broadcast_in_dim3A_138 {add = true} : memref<10000xf32, #tpu.memory_space<vmem>>[vector<16xi32>], vector<16xf32>,
        %get3A_142 = arith.index_cast %add3A_131 : i32 to index
        %get3A_143 = arith.constant 16 : index
        %get3A_144 = tpu.vector_load %arg9[%get3A_142, %get3A_143] {strides = array<i32>} : memref<25x80xi32, #tpu.memory_space<vmem>>, vector<16xi32>,
        tpu.vector_store_idx %arg13[%get3A_144], %broadcast_in_dim3A_138 {add = true} : memref<10000xf32, #tpu.memory_space<vmem>>[vector<16xi32>], vector<16xf32>,
        %get3A_145 = arith.index_cast %add3A_131 : i32 to index
        %get3A_146 = arith.constant 32 : index
        %get3A_147 = tpu.vector_load %arg9[%get3A_145, %get3A_146] {strides = array<i32>} : memref<25x80xi32, #tpu.memory_space<vmem>>, vector<16xi32>,
        tpu.vector_store_idx %arg13[%get3A_147], %broadcast_in_dim3A_138 {add = true} : memref<10000xf32, #tpu.memory_space<vmem>>[vector<16xi32>], vector<16xf32>,
        %get3A_148 = arith.index_cast %add3A_131 : i32 to index
        %get3A_149 = arith.constant 48 : index
        %get3A_150 = tpu.vector_load %arg9[%get3A_148, %get3A_149] {strides = array<i32>} : memref<25x80xi32, #tpu.memory_space<vmem>>, vector<16xi32>,
        tpu.vector_store_idx %arg13[%get3A_150], %broadcast_in_dim3A_138 {add = true} : memref<10000xf32, #tpu.memory_space<vmem>>[vector<16xi32>], vector<16xf32>,
        %get3A_151 = arith.index_cast %add3A_131 : i32 to index
        %get3A_152 = arith.constant 64 : index
        %get3A_153 = tpu.vector_load %arg9[%get3A_151, %get3A_152] {strides = array<i32>} : memref<25x80xi32, #tpu.memory_space<vmem>>, vector<16xi32>,
        tpu.vector_store_idx %arg13[%get3A_153], %broadcast_in_dim3A_138 {add = true} : memref<10000xf32, #tpu.memory_space<vmem>>[vector<16xi32>], vector<16xf32>,
        %dma_wait3A_154 = arith.constant 0 : i32
        %dma_wait3A_155 = arith.constant 0 : i32
        %dma_wait3A_156 = tpu.memref_slice %arg4[%dma_wait3A_154, %dma_wait3A_155] : memref<10000x128xf32, #tpu.memory_space<hbm>> -> memref<80x128xf32, #tpu.memory_space<hbm>>
        %dma_wait3A_157 = arith.constant 0 : i32
        %dma_wait3A_158 = arith.constant 0 : i32
        %dma_wait3A_159 = tpu.memref_slice %arg4[%dma_wait3A_157, %dma_wait3A_158] : memref<10000x128xf32, #tpu.memory_space<hbm>> -> memref<80x128xf32, #tpu.memory_space<hbm>>
        tpu.wait_dma2 semaphore(%arg16 : memref<!tpu.dma_semaphore, #tpu.memory_space<semaphore_mem>>) src(%dma_wait3A_159 : memref<80x128xf32, #tpu.memory_space<hbm>>) dst(%arg11 : memref<80x128xf32, #tpu.memory_space<vmem>>)
        %add3A_160 = arith.constant 3 : i32
        %add3A_161 = arith.addi %add3A_131, %add3A_160 : i32
        %sub3A_162 = arith.constant 1 : i32
        %sub3A_163 = arith.subi %add3A_161, %sub3A_162 : i32
        %lt3A_164 = arith.constant 25 : i32
        %lt3A_165 = arith.cmpi slt, %sub3A_163, %lt3A_164 : i32
        %convert_element_type3A_166 = arith.extui %lt3A_165 : i1 to i32
        %cond3A_167 = arith.constant 0 : i32
        %cond3A_168 = arith.cmpi ne, %convert_element_type3A_166, %cond3A_167 : i32
        scf.if %cond3A_168 {
          %add3A_363 = arith.constant 3 : i32
          %add3A_364 = arith.addi %add3A_131, %add3A_363 : i32
          %sub3A_365 = arith.constant 1 : i32
          %sub3A_366 = arith.subi %add3A_364, %sub3A_365 : i32
          %dma_start3A_367 = arith.constant 0 : i32
          %dma_start3A_368 = tpu.memref_slice %arg8[%sub3A_366, %dma_start3A_367] : memref<25x80xi32, #tpu.memory_space<vmem>> -> memref<1x80xi32, #tpu.memory_space<vmem>>
          %dma_start3A_369 = tpu.memref_squeeze %dma_start3A_368 : memref<1x80xi32, #tpu.memory_space<vmem>> -> memref<80xi32, #tpu.memory_space<vmem>>
          %dma_start3A_370 = arith.constant 0 : i32
          %dma_start3A_371 = arith.constant 0 : i32
          %dma_start3A_372 = tpu.memref_slice %arg2[%dma_start3A_370, %dma_start3A_371] : memref<10000x128xf32, #tpu.memory_space<hbm>> -> memref<10000x128xf32, #tpu.memory_space<hbm>>
          tpu.enqueue_indirect_dma source(%dma_start3A_372 : memref<10000x128xf32, #tpu.memory_space<hbm>>) target(%arg10 : memref<80x128xf32, #tpu.memory_space<vmem>>) offsets(%dma_start3A_369 : memref<80xi32, #tpu.memory_space<vmem>>) semaphore(%arg16 : memref<!tpu.dma_semaphore, #tpu.memory_space<semaphore_mem>>)
        } else {
        }
        %dma_start3A_169 = arith.constant 0 : i32
        %dma_start3A_170 = tpu.memref_slice %arg9[%add3A_131, %dma_start3A_169] : memref<25x80xi32, #tpu.memory_space<vmem>> -> memref<1x80xi32, #tpu.memory_space<vmem>>
        %dma_start3A_171 = tpu.memref_squeeze %dma_start3A_170 : memref<1x80xi32, #tpu.memory_space<vmem>> -> memref<80xi32, #tpu.memory_space<vmem>>
        %dma_start3A_172 = arith.constant 0 : i32
        %dma_start3A_173 = arith.constant 0 : i32
        %dma_start3A_174 = tpu.memref_slice %arg14[%dma_start3A_172, %dma_start3A_173] : memref<10000x128xf32, #tpu.memory_space<vmem_shared>> -> memref<10000x128xf32, #tpu.memory_space<vmem_shared>>
        tpu.enqueue_indirect_dma source(%arg11 : memref<80x128xf32, #tpu.memory_space<vmem>>) target(%dma_start3A_174 : memref<10000x128xf32, #tpu.memory_space<vmem_shared>>) offsets(%dma_start3A_171 : memref<80xi32, #tpu.memory_space<vmem>>) semaphore(%arg17 : memref<!tpu.dma_semaphore, #tpu.memory_space<semaphore_mem>>) {add = true}
        %mul3A_175 = arith.constant 6 : i32
        %mul3A_176 = arith.muli %mul3A_175, %scan3A_85 : i32
        %add3A_177 = arith.constant 2 : i32
        %add3A_178 = arith.addi %mul3A_176, %add3A_177 : i32
        %gt3A_179 = arith.constant 0 : i32
        %gt3A_180 = arith.cmpi sgt, %add3A_178, %gt3A_179 : i32
        %convert_element_type3A_181 = arith.extui %gt3A_180 : i1 to i32
        %cond3A_182 = arith.constant 0 : i32
        %cond3A_183 = arith.cmpi ne, %convert_element_type3A_181, %cond3A_182 : i32
        scf.if %cond3A_183 {
          %dma_wait3A_363 = arith.constant 0 : i32
          %dma_wait3A_364 = arith.constant 0 : i32
          %dma_wait3A_365 = tpu.memref_slice %arg4[%dma_wait3A_363, %dma_wait3A_364] : memref<10000x128xf32, #tpu.memory_space<hbm>> -> memref<80x128xf32, #tpu.memory_space<hbm>>
          %dma_wait3A_366 = arith.constant 0 : i32
          %dma_wait3A_367 = arith.constant 0 : i32
          %dma_wait3A_368 = tpu.memref_slice %arg4[%dma_wait3A_366, %dma_wait3A_367] : memref<10000x128xf32, #tpu.memory_space<hbm>> -> memref<80x128xf32, #tpu.memory_space<hbm>>
          tpu.wait_dma2 semaphore(%arg17 : memref<!tpu.dma_semaphore, #tpu.memory_space<semaphore_mem>>) src(%dma_wait3A_368 : memref<80x128xf32, #tpu.memory_space<hbm>>) dst(%arg12 : memref<80x128xf32, #tpu.memory_space<vmem>>)
        } else {
        }
        %broadcast_in_dim3A_184 = arith.constant 1.000000e+00 : f32
        %broadcast_in_dim3A_185 = vector.broadcast %broadcast_in_dim3A_184 : f32 to vector<16xf32>
        %get3A_186 = arith.index_cast %add3A_178 : i32 to index
        %get3A_187 = arith.constant 0 : index
        %get3A_188 = tpu.vector_load %arg9[%get3A_186, %get3A_187] {strides = array<i32>} : memref<25x80xi32, #tpu.memory_space<vmem>>, vector<16xi32>,
        tpu.vector_store_idx %arg13[%get3A_188], %broadcast_in_dim3A_185 {add = true} : memref<10000xf32, #tpu.memory_space<vmem>>[vector<16xi32>], vector<16xf32>,
        %get3A_189 = arith.index_cast %add3A_178 : i32 to index
        %get3A_190 = arith.constant 16 : index
        %get3A_191 = tpu.vector_load %arg9[%get3A_189, %get3A_190] {strides = array<i32>} : memref<25x80xi32, #tpu.memory_space<vmem>>, vector<16xi32>,
        tpu.vector_store_idx %arg13[%get3A_191], %broadcast_in_dim3A_185 {add = true} : memref<10000xf32, #tpu.memory_space<vmem>>[vector<16xi32>], vector<16xf32>,
        %get3A_192 = arith.index_cast %add3A_178 : i32 to index
        %get3A_193 = arith.constant 32 : index
        %get3A_194 = tpu.vector_load %arg9[%get3A_192, %get3A_193] {strides = array<i32>} : memref<25x80xi32, #tpu.memory_space<vmem>>, vector<16xi32>,
        tpu.vector_store_idx %arg13[%get3A_194], %broadcast_in_dim3A_185 {add = true} : memref<10000xf32, #tpu.memory_space<vmem>>[vector<16xi32>], vector<16xf32>,
        %get3A_195 = arith.index_cast %add3A_178 : i32 to index
        %get3A_196 = arith.constant 48 : index
        %get3A_197 = tpu.vector_load %arg9[%get3A_195, %get3A_196] {strides = array<i32>} : memref<25x80xi32, #tpu.memory_space<vmem>>, vector<16xi32>,
        tpu.vector_store_idx %arg13[%get3A_197], %broadcast_in_dim3A_185 {add = true} : memref<10000xf32, #tpu.memory_space<vmem>>[vector<16xi32>], vector<16xf32>,
        %get3A_198 = arith.index_cast %add3A_178 : i32 to index
        %get3A_199 = arith.constant 64 : index
        %get3A_200 = tpu.vector_load %arg9[%get3A_198, %get3A_199] {strides = array<i32>} : memref<25x80xi32, #tpu.memory_space<vmem>>, vector<16xi32>,
        tpu.vector_store_idx %arg13[%get3A_200], %broadcast_in_dim3A_185 {add = true} : memref<10000xf32, #tpu.memory_space<vmem>>[vector<16xi32>], vector<16xf32>,
        %dma_wait3A_201 = arith.constant 0 : i32
        %dma_wait3A_202 = arith.constant 0 : i32
        %dma_wait3A_203 = tpu.memref_slice %arg4[%dma_wait3A_201, %dma_wait3A_202] : memref<10000x128xf32, #tpu.memory_space<hbm>> -> memref<80x128xf32, #tpu.memory_space<hbm>>
        %dma_wait3A_204 = arith.constant 0 : i32
        %dma_wait3A_205 = arith.constant 0 : i32
        %dma_wait3A_206 = tpu.memref_slice %arg4[%dma_wait3A_204, %dma_wait3A_205] : memref<10000x128xf32, #tpu.memory_space<hbm>> -> memref<80x128xf32, #tpu.memory_space<hbm>>
        tpu.wait_dma2 semaphore(%arg15 : memref<!tpu.dma_semaphore, #tpu.memory_space<semaphore_mem>>) src(%dma_wait3A_206 : memref<80x128xf32, #tpu.memory_space<hbm>>) dst(%arg12 : memref<80x128xf32, #tpu.memory_space<vmem>>)
        %add3A_207 = arith.constant 3 : i32
        %add3A_208 = arith.addi %add3A_178, %add3A_207 : i32
        %sub3A_209 = arith.constant 1 : i32
        %sub3A_210 = arith.subi %add3A_208, %sub3A_209 : i32
        %lt3A_211 = arith.constant 25 : i32
        %lt3A_212 = arith.cmpi slt, %sub3A_210, %lt3A_211 : i32
        %convert_element_type3A_213 = arith.extui %lt3A_212 : i1 to i32
        %cond3A_214 = arith.constant 0 : i32
        %cond3A_215 = arith.cmpi ne, %convert_element_type3A_213, %cond3A_214 : i32
        scf.if %cond3A_215 {
          %add3A_363 = arith.constant 3 : i32
          %add3A_364 = arith.addi %add3A_178, %add3A_363 : i32
          %sub3A_365 = arith.constant 1 : i32
          %sub3A_366 = arith.subi %add3A_364, %sub3A_365 : i32
          %dma_start3A_367 = arith.constant 0 : i32
          %dma_start3A_368 = tpu.memref_slice %arg8[%sub3A_366, %dma_start3A_367] : memref<25x80xi32, #tpu.memory_space<vmem>> -> memref<1x80xi32, #tpu.memory_space<vmem>>
          %dma_start3A_369 = tpu.memref_squeeze %dma_start3A_368 : memref<1x80xi32, #tpu.memory_space<vmem>> -> memref<80xi32, #tpu.memory_space<vmem>>
          %dma_start3A_370 = arith.constant 0 : i32
          %dma_start3A_371 = arith.constant 0 : i32
          %dma_start3A_372 = tpu.memref_slice %arg2[%dma_start3A_370, %dma_start3A_371] : memref<10000x128xf32, #tpu.memory_space<hbm>> -> memref<10000x128xf32, #tpu.memory_space<hbm>>
          tpu.enqueue_indirect_dma source(%dma_start3A_372 : memref<10000x128xf32, #tpu.memory_space<hbm>>) target(%arg11 : memref<80x128xf32, #tpu.memory_space<vmem>>) offsets(%dma_start3A_369 : memref<80xi32, #tpu.memory_space<vmem>>) semaphore(%arg15 : memref<!tpu.dma_semaphore, #tpu.memory_space<semaphore_mem>>)
        } else {
        }
        %dma_start3A_216 = arith.constant 0 : i32
        %dma_start3A_217 = tpu.memref_slice %arg9[%add3A_178, %dma_start3A_216] : memref<25x80xi32, #tpu.memory_space<vmem>> -> memref<1x80xi32, #tpu.memory_space<vmem>>
        %dma_start3A_218 = tpu.memref_squeeze %dma_start3A_217 : memref<1x80xi32, #tpu.memory_space<vmem>> -> memref<80xi32, #tpu.memory_space<vmem>>
        %dma_start3A_219 = arith.constant 0 : i32
        %dma_start3A_220 = arith.constant 0 : i32
        %dma_start3A_221 = tpu.memref_slice %arg14[%dma_start3A_219, %dma_start3A_220] : memref<10000x128xf32, #tpu.memory_space<vmem_shared>> -> memref<10000x128xf32, #tpu.memory_space<vmem_shared>>
        tpu.enqueue_indirect_dma source(%arg12 : memref<80x128xf32, #tpu.memory_space<vmem>>) target(%dma_start3A_221 : memref<10000x128xf32, #tpu.memory_space<vmem_shared>>) offsets(%dma_start3A_218 : memref<80xi32, #tpu.memory_space<vmem>>) semaphore(%arg17 : memref<!tpu.dma_semaphore, #tpu.memory_space<semaphore_mem>>) {add = true}
        %mul3A_222 = arith.constant 6 : i32
        %mul3A_223 = arith.muli %mul3A_222, %scan3A_85 : i32
        %add3A_224 = arith.constant 3 : i32
        %add3A_225 = arith.addi %mul3A_223, %add3A_224 : i32
        %gt3A_226 = arith.constant 0 : i32
        %gt3A_227 = arith.cmpi sgt, %add3A_225, %gt3A_226 : i32
        %convert_element_type3A_228 = arith.extui %gt3A_227 : i1 to i32
        %cond3A_229 = arith.constant 0 : i32
        %cond3A_230 = arith.cmpi ne, %convert_element_type3A_228, %cond3A_229 : i32
        scf.if %cond3A_230 {
          %dma_wait3A_363 = arith.constant 0 : i32
          %dma_wait3A_364 = arith.constant 0 : i32
          %dma_wait3A_365 = tpu.memref_slice %arg4[%dma_wait3A_363, %dma_wait3A_364] : memref<10000x128xf32, #tpu.memory_space<hbm>> -> memref<80x128xf32, #tpu.memory_space<hbm>>
          %dma_wait3A_366 = arith.constant 0 : i32
          %dma_wait3A_367 = arith.constant 0 : i32
          %dma_wait3A_368 = tpu.memref_slice %arg4[%dma_wait3A_366, %dma_wait3A_367] : memref<10000x128xf32, #tpu.memory_space<hbm>> -> memref<80x128xf32, #tpu.memory_space<hbm>>
          tpu.wait_dma2 semaphore(%arg17 : memref<!tpu.dma_semaphore, #tpu.memory_space<semaphore_mem>>) src(%dma_wait3A_368 : memref<80x128xf32, #tpu.memory_space<hbm>>) dst(%arg10 : memref<80x128xf32, #tpu.memory_space<vmem>>)
        } else {
        }
        %broadcast_in_dim3A_231 = arith.constant 1.000000e+00 : f32
        %broadcast_in_dim3A_232 = vector.broadcast %broadcast_in_dim3A_231 : f32 to vector<16xf32>
        %get3A_233 = arith.index_cast %add3A_225 : i32 to index
        %get3A_234 = arith.constant 0 : index
        %get3A_235 = tpu.vector_load %arg9[%get3A_233, %get3A_234] {strides = array<i32>} : memref<25x80xi32, #tpu.memory_space<vmem>>, vector<16xi32>,
        tpu.vector_store_idx %arg13[%get3A_235], %broadcast_in_dim3A_232 {add = true} : memref<10000xf32, #tpu.memory_space<vmem>>[vector<16xi32>], vector<16xf32>,
        %get3A_236 = arith.index_cast %add3A_225 : i32 to index
        %get3A_237 = arith.constant 16 : index
        %get3A_238 = tpu.vector_load %arg9[%get3A_236, %get3A_237] {strides = array<i32>} : memref<25x80xi32, #tpu.memory_space<vmem>>, vector<16xi32>,
        tpu.vector_store_idx %arg13[%get3A_238], %broadcast_in_dim3A_232 {add = true} : memref<10000xf32, #tpu.memory_space<vmem>>[vector<16xi32>], vector<16xf32>,
        %get3A_239 = arith.index_cast %add3A_225 : i32 to index
        %get3A_240 = arith.constant 32 : index
        %get3A_241 = tpu.vector_load %arg9[%get3A_239, %get3A_240] {strides = array<i32>} : memref<25x80xi32, #tpu.memory_space<vmem>>, vector<16xi32>,
        tpu.vector_store_idx %arg13[%get3A_241], %broadcast_in_dim3A_232 {add = true} : memref<10000xf32, #tpu.memory_space<vmem>>[vector<16xi32>], vector<16xf32>,
        %get3A_242 = arith.index_cast %add3A_225 : i32 to index
        %get3A_243 = arith.constant 48 : index
        %get3A_244 = tpu.vector_load %arg9[%get3A_242, %get3A_243] {strides = array<i32>} : memref<25x80xi32, #tpu.memory_space<vmem>>, vector<16xi32>,
        tpu.vector_store_idx %arg13[%get3A_244], %broadcast_in_dim3A_232 {add = true} : memref<10000xf32, #tpu.memory_space<vmem>>[vector<16xi32>], vector<16xf32>,
        %get3A_245 = arith.index_cast %add3A_225 : i32 to index
        %get3A_246 = arith.constant 64 : index
        %get3A_247 = tpu.vector_load %arg9[%get3A_245, %get3A_246] {strides = array<i32>} : memref<25x80xi32, #tpu.memory_space<vmem>>, vector<16xi32>,
        tpu.vector_store_idx %arg13[%get3A_247], %broadcast_in_dim3A_232 {add = true} : memref<10000xf32, #tpu.memory_space<vmem>>[vector<16xi32>], vector<16xf32>,
        %dma_wait3A_248 = arith.constant 0 : i32
        %dma_wait3A_249 = arith.constant 0 : i32
        %dma_wait3A_250 = tpu.memref_slice %arg4[%dma_wait3A_248, %dma_wait3A_249] : memref<10000x128xf32, #tpu.memory_space<hbm>> -> memref<80x128xf32, #tpu.memory_space<hbm>>
        %dma_wait3A_251 = arith.constant 0 : i32
        %dma_wait3A_252 = arith.constant 0 : i32
        %dma_wait3A_253 = tpu.memref_slice %arg4[%dma_wait3A_251, %dma_wait3A_252] : memref<10000x128xf32, #tpu.memory_space<hbm>> -> memref<80x128xf32, #tpu.memory_space<hbm>>
        tpu.wait_dma2 semaphore(%arg16 : memref<!tpu.dma_semaphore, #tpu.memory_space<semaphore_mem>>) src(%dma_wait3A_253 : memref<80x128xf32, #tpu.memory_space<hbm>>) dst(%arg10 : memref<80x128xf32, #tpu.memory_space<vmem>>)
        %add3A_254 = arith.constant 3 : i32
        %add3A_255 = arith.addi %add3A_225, %add3A_254 : i32
        %sub3A_256 = arith.constant 1 : i32
        %sub3A_257 = arith.subi %add3A_255, %sub3A_256 : i32
        %lt3A_258 = arith.constant 25 : i32
        %lt3A_259 = arith.cmpi slt, %sub3A_257, %lt3A_258 : i32
        %convert_element_type3A_260 = arith.extui %lt3A_259 : i1 to i32
        %cond3A_261 = arith.constant 0 : i32
        %cond3A_262 = arith.cmpi ne, %convert_element_type3A_260, %cond3A_261 : i32
        scf.if %cond3A_262 {
          %add3A_363 = arith.constant 3 : i32
          %add3A_364 = arith.addi %add3A_225, %add3A_363 : i32
          %sub3A_365 = arith.constant 1 : i32
          %sub3A_366 = arith.subi %add3A_364, %sub3A_365 : i32
          %dma_start3A_367 = arith.constant 0 : i32
          %dma_start3A_368 = tpu.memref_slice %arg8[%sub3A_366, %dma_start3A_367] : memref<25x80xi32, #tpu.memory_space<vmem>> -> memref<1x80xi32, #tpu.memory_space<vmem>>
          %dma_start3A_369 = tpu.memref_squeeze %dma_start3A_368 : memref<1x80xi32, #tpu.memory_space<vmem>> -> memref<80xi32, #tpu.memory_space<vmem>>
          %dma_start3A_370 = arith.constant 0 : i32
          %dma_start3A_371 = arith.constant 0 : i32
          %dma_start3A_372 = tpu.memref_slice %arg2[%dma_start3A_370, %dma_start3A_371] : memref<10000x128xf32, #tpu.memory_space<hbm>> -> memref<10000x128xf32, #tpu.memory_space<hbm>>
          tpu.enqueue_indirect_dma source(%dma_start3A_372 : memref<10000x128xf32, #tpu.memory_space<hbm>>) target(%arg12 : memref<80x128xf32, #tpu.memory_space<vmem>>) offsets(%dma_start3A_369 : memref<80xi32, #tpu.memory_space<vmem>>) semaphore(%arg16 : memref<!tpu.dma_semaphore, #tpu.memory_space<semaphore_mem>>)
        } else {
        }
        %dma_start3A_263 = arith.constant 0 : i32
        %dma_start3A_264 = tpu.memref_slice %arg9[%add3A_225, %dma_start3A_263] : memref<25x80xi32, #tpu.memory_space<vmem>> -> memref<1x80xi32, #tpu.memory_space<vmem>>
        %dma_start3A_265 = tpu.memref_squeeze %dma_start3A_264 : memref<1x80xi32, #tpu.memory_space<vmem>> -> memref<80xi32, #tpu.memory_space<vmem>>
        %dma_start3A_266 = arith.constant 0 : i32
        %dma_start3A_267 = arith.constant 0 : i32
        %dma_start3A_268 = tpu.memref_slice %arg14[%dma_start3A_266, %dma_start3A_267] : memref<10000x128xf32, #tpu.memory_space<vmem_shared>> -> memref<10000x128xf32, #tpu.memory_space<vmem_shared>>
        tpu.enqueue_indirect_dma source(%arg10 : memref<80x128xf32, #tpu.memory_space<vmem>>) target(%dma_start3A_268 : memref<10000x128xf32, #tpu.memory_space<vmem_shared>>) offsets(%dma_start3A_265 : memref<80xi32, #tpu.memory_space<vmem>>) semaphore(%arg17 : memref<!tpu.dma_semaphore, #tpu.memory_space<semaphore_mem>>) {add = true}
        %mul3A_269 = arith.constant 6 : i32
        %mul3A_270 = arith.muli %mul3A_269, %scan3A_85 : i32
        %add3A_271 = arith.constant 4 : i32
        %add3A_272 = arith.addi %mul3A_270, %add3A_271 : i32
        %gt3A_273 = arith.constant 0 : i32
        %gt3A_274 = arith.cmpi sgt, %add3A_272, %gt3A_273 : i32
        %convert_element_type3A_275 = arith.extui %gt3A_274 : i1 to i32
        %cond3A_276 = arith.constant 0 : i32
        %cond3A_277 = arith.cmpi ne, %convert_element_type3A_275, %cond3A_276 : i32
        scf.if %cond3A_277 {
          %dma_wait3A_363 = arith.constant 0 : i32
          %dma_wait3A_364 = arith.constant 0 : i32
          %dma_wait3A_365 = tpu.memref_slice %arg4[%dma_wait3A_363, %dma_wait3A_364] : memref<10000x128xf32, #tpu.memory_space<hbm>> -> memref<80x128xf32, #tpu.memory_space<hbm>>
          %dma_wait3A_366 = arith.constant 0 : i32
          %dma_wait3A_367 = arith.constant 0 : i32
          %dma_wait3A_368 = tpu.memref_slice %arg4[%dma_wait3A_366, %dma_wait3A_367] : memref<10000x128xf32, #tpu.memory_space<hbm>> -> memref<80x128xf32, #tpu.memory_space<hbm>>
          tpu.wait_dma2 semaphore(%arg17 : memref<!tpu.dma_semaphore, #tpu.memory_space<semaphore_mem>>) src(%dma_wait3A_368 : memref<80x128xf32, #tpu.memory_space<hbm>>) dst(%arg11 : memref<80x128xf32, #tpu.memory_space<vmem>>)
        } else {
        }
        %broadcast_in_dim3A_278 = arith.constant 1.000000e+00 : f32
        %broadcast_in_dim3A_279 = vector.broadcast %broadcast_in_dim3A_278 : f32 to vector<16xf32>
        %get3A_280 = arith.index_cast %add3A_272 : i32 to index
        %get3A_281 = arith.constant 0 : index
        %get3A_282 = tpu.vector_load %arg9[%get3A_280, %get3A_281] {strides = array<i32>} : memref<25x80xi32, #tpu.memory_space<vmem>>, vector<16xi32>,
        tpu.vector_store_idx %arg13[%get3A_282], %broadcast_in_dim3A_279 {add = true} : memref<10000xf32, #tpu.memory_space<vmem>>[vector<16xi32>], vector<16xf32>,
        %get3A_283 = arith.index_cast %add3A_272 : i32 to index
        %get3A_284 = arith.constant 16 : index
        %get3A_285 = tpu.vector_load %arg9[%get3A_283, %get3A_284] {strides = array<i32>} : memref<25x80xi32, #tpu.memory_space<vmem>>, vector<16xi32>,
        tpu.vector_store_idx %arg13[%get3A_285], %broadcast_in_dim3A_279 {add = true} : memref<10000xf32, #tpu.memory_space<vmem>>[vector<16xi32>], vector<16xf32>,
        %get3A_286 = arith.index_cast %add3A_272 : i32 to index
        %get3A_287 = arith.constant 32 : index
        %get3A_288 = tpu.vector_load %arg9[%get3A_286, %get3A_287] {strides = array<i32>} : memref<25x80xi32, #tpu.memory_space<vmem>>, vector<16xi32>,
        tpu.vector_store_idx %arg13[%get3A_288], %broadcast_in_dim3A_279 {add = true} : memref<10000xf32, #tpu.memory_space<vmem>>[vector<16xi32>], vector<16xf32>,
        %get3A_289 = arith.index_cast %add3A_272 : i32 to index
        %get3A_290 = arith.constant 48 : index
        %get3A_291 = tpu.vector_load %arg9[%get3A_289, %get3A_290] {strides = array<i32>} : memref<25x80xi32, #tpu.memory_space<vmem>>, vector<16xi32>,
        tpu.vector_store_idx %arg13[%get3A_291], %broadcast_in_dim3A_279 {add = true} : memref<10000xf32, #tpu.memory_space<vmem>>[vector<16xi32>], vector<16xf32>,
        %get3A_292 = arith.index_cast %add3A_272 : i32 to index
        %get3A_293 = arith.constant 64 : index
        %get3A_294 = tpu.vector_load %arg9[%get3A_292, %get3A_293] {strides = array<i32>} : memref<25x80xi32, #tpu.memory_space<vmem>>, vector<16xi32>,
        tpu.vector_store_idx %arg13[%get3A_294], %broadcast_in_dim3A_279 {add = true} : memref<10000xf32, #tpu.memory_space<vmem>>[vector<16xi32>], vector<16xf32>,
        %dma_wait3A_295 = arith.constant 0 : i32
        %dma_wait3A_296 = arith.constant 0 : i32
        %dma_wait3A_297 = tpu.memref_slice %arg4[%dma_wait3A_295, %dma_wait3A_296] : memref<10000x128xf32, #tpu.memory_space<hbm>> -> memref<80x128xf32, #tpu.memory_space<hbm>>
        %dma_wait3A_298 = arith.constant 0 : i32
        %dma_wait3A_299 = arith.constant 0 : i32
        %dma_wait3A_300 = tpu.memref_slice %arg4[%dma_wait3A_298, %dma_wait3A_299] : memref<10000x128xf32, #tpu.memory_space<hbm>> -> memref<80x128xf32, #tpu.memory_space<hbm>>
        tpu.wait_dma2 semaphore(%arg15 : memref<!tpu.dma_semaphore, #tpu.memory_space<semaphore_mem>>) src(%dma_wait3A_300 : memref<80x128xf32, #tpu.memory_space<hbm>>) dst(%arg11 : memref<80x128xf32, #tpu.memory_space<vmem>>)
        %add3A_301 = arith.constant 3 : i32
        %add3A_302 = arith.addi %add3A_272, %add3A_301 : i32
        %sub3A_303 = arith.constant 1 : i32
        %sub3A_304 = arith.subi %add3A_302, %sub3A_303 : i32
        %lt3A_305 = arith.constant 25 : i32
        %lt3A_306 = arith.cmpi slt, %sub3A_304, %lt3A_305 : i32
        %convert_element_type3A_307 = arith.extui %lt3A_306 : i1 to i32
        %cond3A_308 = arith.constant 0 : i32
        %cond3A_309 = arith.cmpi ne, %convert_element_type3A_307, %cond3A_308 : i32
        scf.if %cond3A_309 {
          %add3A_363 = arith.constant 3 : i32
          %add3A_364 = arith.addi %add3A_272, %add3A_363 : i32
          %sub3A_365 = arith.constant 1 : i32
          %sub3A_366 = arith.subi %add3A_364, %sub3A_365 : i32
          %dma_start3A_367 = arith.constant 0 : i32
          %dma_start3A_368 = tpu.memref_slice %arg8[%sub3A_366, %dma_start3A_367] : memref<25x80xi32, #tpu.memory_space<vmem>> -> memref<1x80xi32, #tpu.memory_space<vmem>>
          %dma_start3A_369 = tpu.memref_squeeze %dma_start3A_368 : memref<1x80xi32, #tpu.memory_space<vmem>> -> memref<80xi32, #tpu.memory_space<vmem>>
          %dma_start3A_370 = arith.constant 0 : i32
          %dma_start3A_371 = arith.constant 0 : i32
          %dma_start3A_372 = tpu.memref_slice %arg2[%dma_start3A_370, %dma_start3A_371] : memref<10000x128xf32, #tpu.memory_space<hbm>> -> memref<10000x128xf32, #tpu.memory_space<hbm>>
          tpu.enqueue_indirect_dma source(%dma_start3A_372 : memref<10000x128xf32, #tpu.memory_space<hbm>>) target(%arg10 : memref<80x128xf32, #tpu.memory_space<vmem>>) offsets(%dma_start3A_369 : memref<80xi32, #tpu.memory_space<vmem>>) semaphore(%arg15 : memref<!tpu.dma_semaphore, #tpu.memory_space<semaphore_mem>>)
        } else {
        }
        %dma_start3A_310 = arith.constant 0 : i32
        %dma_start3A_311 = tpu.memref_slice %arg9[%add3A_272, %dma_start3A_310] : memref<25x80xi32, #tpu.memory_space<vmem>> -> memref<1x80xi32, #tpu.memory_space<vmem>>
        %dma_start3A_312 = tpu.memref_squeeze %dma_start3A_311 : memref<1x80xi32, #tpu.memory_space<vmem>> -> memref<80xi32, #tpu.memory_space<vmem>>
        %dma_start3A_313 = arith.constant 0 : i32
        %dma_start3A_314 = arith.constant 0 : i32
        %dma_start3A_315 = tpu.memref_slice %arg14[%dma_start3A_313, %dma_start3A_314] : memref<10000x128xf32, #tpu.memory_space<vmem_shared>> -> memref<10000x128xf32, #tpu.memory_space<vmem_shared>>
        tpu.enqueue_indirect_dma source(%arg11 : memref<80x128xf32, #tpu.memory_space<vmem>>) target(%dma_start3A_315 : memref<10000x128xf32, #tpu.memory_space<vmem_shared>>) offsets(%dma_start3A_312 : memref<80xi32, #tpu.memory_space<vmem>>) semaphore(%arg17 : memref<!tpu.dma_semaphore, #tpu.memory_space<semaphore_mem>>) {add = true}
        %mul3A_316 = arith.constant 6 : i32
        %mul3A_317 = arith.muli %mul3A_316, %scan3A_85 : i32
        %add3A_318 = arith.constant 5 : i32
        %add3A_319 = arith.addi %mul3A_317, %add3A_318 : i32
        %gt3A_320 = arith.constant 0 : i32
        %gt3A_321 = arith.cmpi sgt, %add3A_319, %gt3A_320 : i32
        %convert_element_type3A_322 = arith.extui %gt3A_321 : i1 to i32
        %cond3A_323 = arith.constant 0 : i32
        %cond3A_324 = arith.cmpi ne, %convert_element_type3A_322, %cond3A_323 : i32
        scf.if %cond3A_324 {
          %dma_wait3A_363 = arith.constant 0 : i32
          %dma_wait3A_364 = arith.constant 0 : i32
          %dma_wait3A_365 = tpu.memref_slice %arg4[%dma_wait3A_363, %dma_wait3A_364] : memref<10000x128xf32, #tpu.memory_space<hbm>> -> memref<80x128xf32, #tpu.memory_space<hbm>>
          %dma_wait3A_366 = arith.constant 0 : i32
          %dma_wait3A_367 = arith.constant 0 : i32
          %dma_wait3A_368 = tpu.memref_slice %arg4[%dma_wait3A_366, %dma_wait3A_367] : memref<10000x128xf32, #tpu.memory_space<hbm>> -> memref<80x128xf32, #tpu.memory_space<hbm>>
          tpu.wait_dma2 semaphore(%arg17 : memref<!tpu.dma_semaphore, #tpu.memory_space<semaphore_mem>>) src(%dma_wait3A_368 : memref<80x128xf32, #tpu.memory_space<hbm>>) dst(%arg12 : memref<80x128xf32, #tpu.memory_space<vmem>>)
        } else {
        }
        %broadcast_in_dim3A_325 = arith.constant 1.000000e+00 : f32
        %broadcast_in_dim3A_326 = vector.broadcast %broadcast_in_dim3A_325 : f32 to vector<16xf32>
        %get3A_327 = arith.index_cast %add3A_319 : i32 to index
        %get3A_328 = arith.constant 0 : index
        %get3A_329 = tpu.vector_load %arg9[%get3A_327, %get3A_328] {strides = array<i32>} : memref<25x80xi32, #tpu.memory_space<vmem>>, vector<16xi32>,
        tpu.vector_store_idx %arg13[%get3A_329], %broadcast_in_dim3A_326 {add = true} : memref<10000xf32, #tpu.memory_space<vmem>>[vector<16xi32>], vector<16xf32>,
        %get3A_330 = arith.index_cast %add3A_319 : i32 to index
        %get3A_331 = arith.constant 16 : index
        %get3A_332 = tpu.vector_load %arg9[%get3A_330, %get3A_331] {strides = array<i32>} : memref<25x80xi32, #tpu.memory_space<vmem>>, vector<16xi32>,
        tpu.vector_store_idx %arg13[%get3A_332], %broadcast_in_dim3A_326 {add = true} : memref<10000xf32, #tpu.memory_space<vmem>>[vector<16xi32>], vector<16xf32>,
        %get3A_333 = arith.index_cast %add3A_319 : i32 to index
        %get3A_334 = arith.constant 32 : index
        %get3A_335 = tpu.vector_load %arg9[%get3A_333, %get3A_334] {strides = array<i32>} : memref<25x80xi32, #tpu.memory_space<vmem>>, vector<16xi32>,
        tpu.vector_store_idx %arg13[%get3A_335], %broadcast_in_dim3A_326 {add = true} : memref<10000xf32, #tpu.memory_space<vmem>>[vector<16xi32>], vector<16xf32>,
        %get3A_336 = arith.index_cast %add3A_319 : i32 to index
        %get3A_337 = arith.constant 48 : index
        %get3A_338 = tpu.vector_load %arg9[%get3A_336, %get3A_337] {strides = array<i32>} : memref<25x80xi32, #tpu.memory_space<vmem>>, vector<16xi32>,
        tpu.vector_store_idx %arg13[%get3A_338], %broadcast_in_dim3A_326 {add = true} : memref<10000xf32, #tpu.memory_space<vmem>>[vector<16xi32>], vector<16xf32>,
        %get3A_339 = arith.index_cast %add3A_319 : i32 to index
        %get3A_340 = arith.constant 64 : index
        %get3A_341 = tpu.vector_load %arg9[%get3A_339, %get3A_340] {strides = array<i32>} : memref<25x80xi32, #tpu.memory_space<vmem>>, vector<16xi32>,
        tpu.vector_store_idx %arg13[%get3A_341], %broadcast_in_dim3A_326 {add = true} : memref<10000xf32, #tpu.memory_space<vmem>>[vector<16xi32>], vector<16xf32>,
        %dma_wait3A_342 = arith.constant 0 : i32
        %dma_wait3A_343 = arith.constant 0 : i32
        %dma_wait3A_344 = tpu.memref_slice %arg4[%dma_wait3A_342, %dma_wait3A_343] : memref<10000x128xf32, #tpu.memory_space<hbm>> -> memref<80x128xf32, #tpu.memory_space<hbm>>
        %dma_wait3A_345 = arith.constant 0 : i32
        %dma_wait3A_346 = arith.constant 0 : i32
        %dma_wait3A_347 = tpu.memref_slice %arg4[%dma_wait3A_345, %dma_wait3A_346] : memref<10000x128xf32, #tpu.memory_space<hbm>> -> memref<80x128xf32, #tpu.memory_space<hbm>>
        tpu.wait_dma2 semaphore(%arg16 : memref<!tpu.dma_semaphore, #tpu.memory_space<semaphore_mem>>) src(%dma_wait3A_347 : memref<80x128xf32, #tpu.memory_space<hbm>>) dst(%arg12 : memref<80x128xf32, #tpu.memory_space<vmem>>)
        %add3A_348 = arith.constant 3 : i32
        %add3A_349 = arith.addi %add3A_319, %add3A_348 : i32
        %sub3A_350 = arith.constant 1 : i32
        %sub3A_351 = arith.subi %add3A_349, %sub3A_350 : i32
        %lt3A_352 = arith.constant 25 : i32
        %lt3A_353 = arith.cmpi slt, %sub3A_351, %lt3A_352 : i32
        %convert_element_type3A_354 = arith.extui %lt3A_353 : i1 to i32
        %cond3A_355 = arith.constant 0 : i32
        %cond3A_356 = arith.cmpi ne, %convert_element_type3A_354, %cond3A_355 : i32
        scf.if %cond3A_356 {
          %add3A_363 = arith.constant 3 : i32
          %add3A_364 = arith.addi %add3A_319, %add3A_363 : i32
          %sub3A_365 = arith.constant 1 : i32
          %sub3A_366 = arith.subi %add3A_364, %sub3A_365 : i32
          %dma_start3A_367 = arith.constant 0 : i32
          %dma_start3A_368 = tpu.memref_slice %arg8[%sub3A_366, %dma_start3A_367] : memref<25x80xi32, #tpu.memory_space<vmem>> -> memref<1x80xi32, #tpu.memory_space<vmem>>
          %dma_start3A_369 = tpu.memref_squeeze %dma_start3A_368 : memref<1x80xi32, #tpu.memory_space<vmem>> -> memref<80xi32, #tpu.memory_space<vmem>>
          %dma_start3A_370 = arith.constant 0 : i32
          %dma_start3A_371 = arith.constant 0 : i32
          %dma_start3A_372 = tpu.memref_slice %arg2[%dma_start3A_370, %dma_start3A_371] : memref<10000x128xf32, #tpu.memory_space<hbm>> -> memref<10000x128xf32, #tpu.memory_space<hbm>>
          tpu.enqueue_indirect_dma source(%dma_start3A_372 : memref<10000x128xf32, #tpu.memory_space<hbm>>) target(%arg11 : memref<80x128xf32, #tpu.memory_space<vmem>>) offsets(%dma_start3A_369 : memref<80xi32, #tpu.memory_space<vmem>>) semaphore(%arg16 : memref<!tpu.dma_semaphore, #tpu.memory_space<semaphore_mem>>)
        } else {
        }
        %dma_start3A_357 = arith.constant 0 : i32
        %dma_start3A_358 = tpu.memref_slice %arg9[%add3A_319, %dma_start3A_357] : memref<25x80xi32, #tpu.memory_space<vmem>> -> memref<1x80xi32, #tpu.memory_space<vmem>>
        %dma_start3A_359 = tpu.memref_squeeze %dma_start3A_358 : memref<1x80xi32, #tpu.memory_space<vmem>> -> memref<80xi32, #tpu.memory_space<vmem>>
        %dma_start3A_360 = arith.constant 0 : i32
        %dma_start3A_361 = arith.constant 0 : i32
        %dma_start3A_362 = tpu.memref_slice %arg14[%dma_start3A_360, %dma_start3A_361] : memref<10000x128xf32, #tpu.memory_space<vmem_shared>> -> memref<10000x128xf32, #tpu.memory_space<vmem_shared>>
        tpu.enqueue_indirect_dma source(%arg12 : memref<80x128xf32, #tpu.memory_space<vmem>>) target(%dma_start3A_362 : memref<10000x128xf32, #tpu.memory_space<vmem_shared>>) offsets(%dma_start3A_359 : memref<80xi32, #tpu.memory_space<vmem>>) semaphore(%arg17 : memref<!tpu.dma_semaphore, #tpu.memory_space<semaphore_mem>>) {add = true}
      }
      %scan3A_40 = arith.constant 4 : i32
      %dma_wait3A = arith.constant 0 : i32
      %dma_wait3A_41 = arith.constant 0 : i32
      %dma_wait3A_42 = tpu.memref_slice %arg4[%dma_wait3A, %dma_wait3A_41] : memref<10000x128xf32, #tpu.memory_space<hbm>> -> memref<80x128xf32, #tpu.memory_space<hbm>>
      %dma_wait3A_43 = arith.constant 0 : i32
      %dma_wait3A_44 = arith.constant 0 : i32
      %dma_wait3A_45 = tpu.memref_slice %arg4[%dma_wait3A_43, %dma_wait3A_44] : memref<10000x128xf32, #tpu.memory_space<hbm>> -> memref<80x128xf32, #tpu.memory_space<hbm>>
      tpu.wait_dma2 semaphore(%arg17 : memref<!tpu.dma_semaphore, #tpu.memory_space<semaphore_mem>>) src(%dma_wait3A_45 : memref<80x128xf32, #tpu.memory_space<hbm>>) dst(%arg10 : memref<80x128xf32, #tpu.memory_space<vmem>>)
      %broadcast_in_dim3A = arith.constant 1.000000e+00 : f32
      %broadcast_in_dim3A_46 = vector.broadcast %broadcast_in_dim3A : f32 to vector<16xf32>
      %get3A = arith.constant 24 : i32
      %get3A_47 = arith.index_cast %get3A : i32 to index
      %get3A_48 = arith.constant 0 : index
      %get3A_49 = tpu.vector_load %arg9[%get3A_47, %get3A_48] {strides = array<i32>} : memref<25x80xi32, #tpu.memory_space<vmem>>, vector<16xi32>,
      tpu.vector_store_idx %arg13[%get3A_49], %broadcast_in_dim3A_46 {add = true} : memref<10000xf32, #tpu.memory_space<vmem>>[vector<16xi32>], vector<16xf32>,
      %get3A_50 = arith.constant 24 : i32
      %get3A_51 = arith.index_cast %get3A_50 : i32 to index
      %get3A_52 = arith.constant 16 : index
      %get3A_53 = tpu.vector_load %arg9[%get3A_51, %get3A_52] {strides = array<i32>} : memref<25x80xi32, #tpu.memory_space<vmem>>, vector<16xi32>,
      tpu.vector_store_idx %arg13[%get3A_53], %broadcast_in_dim3A_46 {add = true} : memref<10000xf32, #tpu.memory_space<vmem>>[vector<16xi32>], vector<16xf32>,
      %get3A_54 = arith.constant 24 : i32
      %get3A_55 = arith.index_cast %get3A_54 : i32 to index
      %get3A_56 = arith.constant 32 : index
      %get3A_57 = tpu.vector_load %arg9[%get3A_55, %get3A_56] {strides = array<i32>} : memref<25x80xi32, #tpu.memory_space<vmem>>, vector<16xi32>,
      tpu.vector_store_idx %arg13[%get3A_57], %broadcast_in_dim3A_46 {add = true} : memref<10000xf32, #tpu.memory_space<vmem>>[vector<16xi32>], vector<16xf32>,
      %get3A_58 = arith.constant 24 : i32
      %get3A_59 = arith.index_cast %get3A_58 : i32 to index
      %get3A_60 = arith.constant 48 : index
      %get3A_61 = tpu.vector_load %arg9[%get3A_59, %get3A_60] {strides = array<i32>} : memref<25x80xi32, #tpu.memory_space<vmem>>, vector<16xi32>,
      tpu.vector_store_idx %arg13[%get3A_61], %broadcast_in_dim3A_46 {add = true} : memref<10000xf32, #tpu.memory_space<vmem>>[vector<16xi32>], vector<16xf32>,
      %get3A_62 = arith.constant 24 : i32
      %get3A_63 = arith.index_cast %get3A_62 : i32 to index
      %get3A_64 = arith.constant 64 : index
      %get3A_65 = tpu.vector_load %arg9[%get3A_63, %get3A_64] {strides = array<i32>} : memref<25x80xi32, #tpu.memory_space<vmem>>, vector<16xi32>,
      tpu.vector_store_idx %arg13[%get3A_65], %broadcast_in_dim3A_46 {add = true} : memref<10000xf32, #tpu.memory_space<vmem>>[vector<16xi32>], vector<16xf32>,
      %dma_wait3A_66 = arith.constant 0 : i32
      %dma_wait3A_67 = arith.constant 0 : i32
      %dma_wait3A_68 = tpu.memref_slice %arg4[%dma_wait3A_66, %dma_wait3A_67] : memref<10000x128xf32, #tpu.memory_space<hbm>> -> memref<80x128xf32, #tpu.memory_space<hbm>>
      %dma_wait3A_69 = arith.constant 0 : i32
      %dma_wait3A_70 = arith.constant 0 : i32
      %dma_wait3A_71 = tpu.memref_slice %arg4[%dma_wait3A_69, %dma_wait3A_70] : memref<10000x128xf32, #tpu.memory_space<hbm>> -> memref<80x128xf32, #tpu.memory_space<hbm>>
      tpu.wait_dma2 semaphore(%arg15 : memref<!tpu.dma_semaphore, #tpu.memory_space<semaphore_mem>>) src(%dma_wait3A_71 : memref<80x128xf32, #tpu.memory_space<hbm>>) dst(%arg10 : memref<80x128xf32, #tpu.memory_space<vmem>>)
      %dma_start3A_72 = arith.constant 24 : i32
      %dma_start3A_73 = arith.constant 0 : i32
      %dma_start3A_74 = tpu.memref_slice %arg9[%dma_start3A_72, %dma_start3A_73] : memref<25x80xi32, #tpu.memory_space<vmem>> -> memref<1x80xi32, #tpu.memory_space<vmem>>
      %dma_start3A_75 = tpu.memref_squeeze %dma_start3A_74 : memref<1x80xi32, #tpu.memory_space<vmem>> -> memref<80xi32, #tpu.memory_space<vmem>>
      %dma_start3A_76 = arith.constant 0 : i32
      %dma_start3A_77 = arith.constant 0 : i32
      %dma_start3A_78 = tpu.memref_slice %arg14[%dma_start3A_76, %dma_start3A_77] : memref<10000x128xf32, #tpu.memory_space<vmem_shared>> -> memref<10000x128xf32, #tpu.memory_space<vmem_shared>>
      tpu.enqueue_indirect_dma source(%arg10 : memref<80x128xf32, #tpu.memory_space<vmem>>) target(%dma_start3A_78 : memref<10000x128xf32, #tpu.memory_space<vmem_shared>>) offsets(%dma_start3A_75 : memref<80xi32, #tpu.memory_space<vmem>>) semaphore(%arg17 : memref<!tpu.dma_semaphore, #tpu.memory_space<semaphore_mem>>) {add = true}
      %dma_wait3A_79 = arith.constant 0 : i32
      %dma_wait3A_80 = arith.constant 0 : i32
      %dma_wait3A_81 = tpu.memref_slice %arg4[%dma_wait3A_79, %dma_wait3A_80] : memref<10000x128xf32, #tpu.memory_space<hbm>> -> memref<80x128xf32, #tpu.memory_space<hbm>>
      %dma_wait3A_82 = arith.constant 0 : i32
      %dma_wait3A_83 = arith.constant 0 : i32
      %dma_wait3A_84 = tpu.memref_slice %arg4[%dma_wait3A_82, %dma_wait3A_83] : memref<10000x128xf32, #tpu.memory_space<hbm>> -> memref<80x128xf32, #tpu.memory_space<hbm>>
      tpu.wait_dma2 semaphore(%arg17 : memref<!tpu.dma_semaphore, #tpu.memory_space<semaphore_mem>>) src(%dma_wait3A_84 : memref<80x128xf32, #tpu.memory_space<hbm>>) dst(%arg10 : memref<80x128xf32, #tpu.memory_space<vmem>>)
    }
    %scan3A_7 = arith.constant 5 : i32
    %barrier3A_8 = arith.constant 0 : index
    tpu.barrier barrier_id(%barrier3A_8)
    %mul3A_9 = arith.constant 10000 : i32
    %mul3A_10 = arith.muli %arg0, %mul3A_9 : i32
    %mul3A_11 = arith.constant 624 : i32
    %mul3A_12 = arith.muli %arg1, %mul3A_11 : i32
    %add3A_13 = arith.addi %mul3A_10, %mul3A_12 : i32
    "tpu.region"() ({
      %run_scoped3A = tpu.sem_alloc : memref<!tpu.dma_semaphore, #tpu.memory_space<semaphore_mem>>
      %dma_start3A = arith.constant 0 : i32
      %dma_start3A_14 = tpu.memref_slice %arg6[%add3A_13, %dma_start3A] : memref<20000x128xf32, #tpu.memory_space<hbm>> -> memref<640x128xf32, #tpu.memory_space<hbm>>
      %dma_start3A_15 = arith.constant 0 : i32
      %dma_start3A_16 = tpu.memref_slice %arg14[%mul3A_2, %dma_start3A_15] : memref<10000x128xf32, #tpu.memory_space<vmem_shared>> -> memref<640x128xf32, #tpu.memory_space<vmem_shared>>
      tpu.enqueue_dma source(%dma_start3A_16 : memref<640x128xf32, #tpu.memory_space<vmem_shared>>) target(%dma_start3A_14 : memref<640x128xf32, #tpu.memory_space<hbm>>) target_semaphore(%run_scoped3A : memref<!tpu.dma_semaphore, #tpu.memory_space<semaphore_mem>>)
      %dma_wait3A = arith.constant 0 : i32
      %dma_wait3A_17 = tpu.memref_slice %arg6[%add3A_13, %dma_wait3A] : memref<20000x128xf32, #tpu.memory_space<hbm>> -> memref<640x128xf32, #tpu.memory_space<hbm>>
      %dma_wait3A_18 = arith.constant 0 : i32
      %dma_wait3A_19 = tpu.memref_slice %arg14[%mul3A_2, %dma_wait3A_18] : memref<10000x128xf32, #tpu.memory_space<vmem_shared>> -> memref<640x128xf32, #tpu.memory_space<vmem_shared>>
      tpu.wait_dma2 semaphore(%run_scoped3A : memref<!tpu.dma_semaphore, #tpu.memory_space<semaphore_mem>>) src(%dma_wait3A_19 : memref<640x128xf32, #tpu.memory_space<vmem_shared>>) dst(%dma_wait3A_17 : memref<640x128xf32, #tpu.memory_space<hbm>>)
      tpu.yield
    }) : () -> ()
    "tpu.region"() ({
      %run_scoped3A = tpu.sem_alloc : memref<!tpu.dma_semaphore, #tpu.memory_space<semaphore_mem>>
      %dma_start3A = arith.constant 0 : i32
      %dma_start3A_14 = tpu.memref_slice %arg7[%add3A, %dma_start3A] : memref<32x10000xf32, #tpu.memory_space<hbm>> -> memref<1x10000xf32, #tpu.memory_space<hbm>>
      %dma_start3A_15 = tpu.memref_squeeze %dma_start3A_14 : memref<1x10000xf32, #tpu.memory_space<hbm>> -> memref<10000xf32, #tpu.memory_space<hbm>>
      %dma_start3A_16 = arith.constant 0 : i32
      %dma_start3A_17 = tpu.memref_slice %arg7[%add3A, %dma_start3A_16] : memref<32x10000xf32, #tpu.memory_space<hbm>> -> memref<1x10000xf32, #tpu.memory_space<hbm>>
      %dma_start3A_18 = tpu.memref_squeeze %dma_start3A_17 : memref<1x10000xf32, #tpu.memory_space<hbm>> -> memref<10000xf32, #tpu.memory_space<hbm>>
      tpu.enqueue_dma source(%arg13 : memref<10000xf32, #tpu.memory_space<vmem>>) target(%dma_start3A_18 : memref<10000xf32, #tpu.memory_space<hbm>>) target_semaphore(%run_scoped3A : memref<!tpu.dma_semaphore, #tpu.memory_space<semaphore_mem>>)
      %dma_wait3A = arith.constant 0 : i32
      %dma_wait3A_19 = tpu.memref_slice %arg7[%add3A, %dma_wait3A] : memref<32x10000xf32, #tpu.memory_space<hbm>> -> memref<1x10000xf32, #tpu.memory_space<hbm>>
      %dma_wait3A_20 = tpu.memref_squeeze %dma_wait3A_19 : memref<1x10000xf32, #tpu.memory_space<hbm>> -> memref<10000xf32, #tpu.memory_space<hbm>>
      %dma_wait3A_21 = arith.constant 0 : i32
      %dma_wait3A_22 = tpu.memref_slice %arg7[%add3A, %dma_wait3A_21] : memref<32x10000xf32, #tpu.memory_space<hbm>> -> memref<1x10000xf32, #tpu.memory_space<hbm>>
      %dma_wait3A_23 = tpu.memref_squeeze %dma_wait3A_22 : memref<1x10000xf32, #tpu.memory_space<hbm>> -> memref<10000xf32, #tpu.memory_space<hbm>>
      tpu.wait_dma2 semaphore(%run_scoped3A : memref<!tpu.dma_semaphore, #tpu.memory_space<semaphore_mem>>) src(%arg13 : memref<10000xf32, #tpu.memory_space<vmem>>) dst(%dma_wait3A_23 : memref<10000xf32, #tpu.memory_space<hbm>>)
      tpu.yield
    }) : () -> ()
    return
  }
}

module attributes {stable_mosaic.version = 14 : i64} {
  func.func @body(%arg0: memref<32x10000xf32, #tpu.memory_space<vmem>>, %arg1: memref<1x10000xf32, #tpu.memory_space<vmem>>) attributes {dimension_semantics = [], scalar_prefetch = 0 : i64, scratch_operands = 0 : i64, tpu.core_type = #tpu.core_type<tc>} {
    %get3A = arith.constant 0 : index
    %get3A_0 = arith.constant 0 : index
    %get3A_1 = vector.load %arg0[%get3A, %get3A_0] : memref<32x10000xf32, #tpu.memory_space<vmem>>, vector<32x10000xf32>
    %reduce_sum3A = arith.constant dense<0.000000e+00> : vector<10000xf32>
    %reduce_sum3A_2 = vector.multi_reduction <add>, %get3A_1, %reduce_sum3A [0] : vector<32x10000xf32> to vector<10000xf32>
    %broadcast_in_dim3A = vector.shape_cast %reduce_sum3A_2 : vector<10000xf32> to vector<1x10000xf32>
    %swap3A = arith.constant 0 : index
    %swap3A_3 = arith.constant 0 : index
    %swap3A_4 = vector.load %arg1[%swap3A, %swap3A_3] : memref<1x10000xf32, #tpu.memory_space<vmem>>, vector<1x10000xf32>
    tpu.vector_store %arg1[%swap3A, %swap3A_3], %broadcast_in_dim3A {strides = array<i32>} : memref<1x10000xf32, #tpu.memory_space<vmem>>, vector<1x10000xf32>,
    return
  }
}

module attributes {stable_mosaic.version = 14 : i64} {
  func.func @body(%arg0: i32, %arg1: memref<1000x128xf32, #tpu.memory_space<vmem>>, %arg2: memref<2x1000x128xf32, #tpu.memory_space<vmem>>, %arg3: memref<1000x1xf32, #tpu.memory_space<vmem>>, %arg4: memref<128x256xf32, #tpu.memory_space<vmem>>, %arg5: memref<128x256xf32, #tpu.memory_space<vmem>>, %arg6: memref<1x256xf32, #tpu.memory_space<vmem>>, %arg7: memref<1x256xf32, #tpu.memory_space<vmem>>, %arg8: memref<1x256xf32, #tpu.memory_space<vmem>>, %arg9: memref<1000x128xf32, #tpu.memory_space<vmem>>, %arg10: memref<1000x128xf32, #tpu.memory_space<vmem>>) attributes {dimension_semantics = [#tpu.dimension_semantics<arbitrary>], iteration_bounds = array<i64: 10>, scalar_prefetch = 0 : i64, scratch_operands = 0 : i64, tpu.core_type = #tpu.core_type<tc>, window_params = [{transform_indices = @transform_0, window_bounds = array<i64: 1000, 128>}, {transform_indices = @transform_1, window_bounds = array<i64: 2, 1000, 128>}, {transform_indices = @transform_2, window_bounds = array<i64: 1000, 1>}, {pipeline_mode = #tpu.pipeline_mode<synchronous>, transform_indices = @transform_3, window_bounds = array<i64: 128, 256>}, {pipeline_mode = #tpu.pipeline_mode<synchronous>, transform_indices = @transform_4, window_bounds = array<i64: 128, 256>}, {pipeline_mode = #tpu.pipeline_mode<synchronous>, transform_indices = @transform_5, window_bounds = array<i64: 1, 256>}, {pipeline_mode = #tpu.pipeline_mode<synchronous>, transform_indices = @transform_6, window_bounds = array<i64: 1, 256>}, {pipeline_mode = #tpu.pipeline_mode<synchronous>, transform_indices = @transform_7, window_bounds = array<i64: 1, 256>}, {transform_indices = @transform_8, window_bounds = array<i64: 1000, 128>}, {transform_indices = @transform_9, window_bounds = array<i64: 1000, 128>}]} {
    %get3A = arith.constant 0 : index
    %get3A_0 = arith.constant 0 : index
    %get3A_1 = vector.load %arg1[%get3A, %get3A_0] : memref<1000x128xf32, #tpu.memory_space<vmem>>, vector<1000x128xf32>
    %get3A_2 = arith.constant 0 : index
    %get3A_3 = arith.constant 0 : index
    %get3A_4 = arith.constant 0 : index
    %get3A_5 = vector.load %arg2[%get3A_2, %get3A_3, %get3A_4] : memref<2x1000x128xf32, #tpu.memory_space<vmem>>, vector<2x1000x128xf32>
    %get3A_6 = arith.constant 0 : index
    %get3A_7 = arith.constant 0 : index
    %get3A_8 = vector.load %arg3[%get3A_6, %get3A_7] : memref<1000x1xf32, #tpu.memory_space<vmem>>, vector<1000x1xf32>
    %slice3A = vector.extract_strided_slice %get3A_5 {offsets = [0, 0, 0], sizes = [1, 1000, 128], strides = [1, 1, 1]} : vector<2x1000x128xf32> to vector<1x1000x128xf32>
    %squeeze3A = vector.shape_cast %slice3A : vector<1x1000x128xf32> to vector<1000x128xf32>
    %slice3A_9 = vector.extract_strided_slice %get3A_5 {offsets = [1, 0, 0], sizes = [1, 1000, 128], strides = [1, 1, 1]} : vector<2x1000x128xf32> to vector<1x1000x128xf32>
    %squeeze3A_10 = vector.shape_cast %slice3A_9 : vector<1x1000x128xf32> to vector<1000x128xf32>
    %add3A = arith.addf %squeeze3A, %squeeze3A_10 : vector<1000x128xf32>
    %max3A = arith.constant 1.000000e+00 : f32
    %max3A_11 = vector.broadcast %max3A : f32 to vector<1000x1xf32>
    %max3A_12 = arith.maximumf %get3A_8, %max3A_11 : vector<1000x1xf32>
    %div3A = vector.broadcast %max3A_12 : vector<1000x1xf32> to vector<1000x128xf32>
    %div3A_13 = arith.divf %add3A, %div3A : vector<1000x128xf32>
    %get3A_14 = arith.constant 0 : index
    %get3A_15 = arith.constant 0 : index
    %get3A_16 = vector.load %arg4[%get3A_14, %get3A_15] : memref<128x256xf32, #tpu.memory_space<vmem>>, vector<128x256xf32>
    %dot_general3A = arith.constant dense<0.000000e+00> : vector<1000x256xf32>
    %dot_general3A_17 = tpu.matmul %div3A_13, %get3A_16, %dot_general3A {dimension_numbers = #tpu.dot_dimension_numbers<[1], [0], [0], [1], [0, 0, 1, 1], [], []>, transpose_lhs_hint = false} : vector<1000x128xf32>, vector<128x256xf32>, vector<1000x256xf32> -> vector<1000x256xf32>
    %get3A_18 = arith.constant 0 : index
    %get3A_19 = arith.constant 0 : index
    %get3A_20 = vector.load %arg5[%get3A_18, %get3A_19] : memref<128x256xf32, #tpu.memory_space<vmem>>, vector<128x256xf32>
    %dot_general3A_21 = arith.constant dense<0.000000e+00> : vector<1000x256xf32>
    %dot_general3A_22 = tpu.matmul %get3A_1, %get3A_20, %dot_general3A_21 {dimension_numbers = #tpu.dot_dimension_numbers<[1], [0], [0], [1], [0, 0, 1, 1], [], []>, transpose_lhs_hint = false} : vector<1000x128xf32>, vector<128x256xf32>, vector<1000x256xf32> -> vector<1000x256xf32>
    %add3A_23 = arith.addf %dot_general3A_17, %dot_general3A_22 : vector<1000x256xf32>
    %get3A_24 = arith.constant 0 : index
    %get3A_25 = arith.constant 0 : index
    %get3A_26 = vector.load %arg6[%get3A_24, %get3A_25] : memref<1x256xf32, #tpu.memory_space<vmem>>, vector<1x256xf32>
    %add3A_27 = vector.broadcast %get3A_26 : vector<1x256xf32> to vector<1000x256xf32>
    %add3A_28 = arith.addf %add3A_23, %add3A_27 : vector<1000x256xf32>
    %reduce_sum3A = arith.constant dense<0.000000e+00> : vector<1000xf32>
    %reduce_sum3A_29 = vector.multi_reduction <add>, %add3A_28, %reduce_sum3A [1] : vector<1000x256xf32> to vector<1000xf32>
    %broadcast_in_dim3A = vector.shape_cast %reduce_sum3A_29 : vector<1000xf32> to vector<1000x1xf32>
    %div3A_30 = arith.constant 2.560000e+02 : f32
    %div3A_31 = vector.broadcast %div3A_30 : f32 to vector<1000x1xf32>
    %div3A_32 = arith.divf %broadcast_in_dim3A, %div3A_31 : vector<1000x1xf32>
    %sub3A = vector.broadcast %div3A_32 : vector<1000x1xf32> to vector<1000x256xf32>
    %sub3A_33 = arith.subf %add3A_28, %sub3A : vector<1000x256xf32>
    %integer_pow3A = arith.mulf %sub3A_33, %sub3A_33 : vector<1000x256xf32>
    %reduce_sum3A_34 = arith.constant dense<0.000000e+00> : vector<1000xf32>
    %reduce_sum3A_35 = vector.multi_reduction <add>, %integer_pow3A, %reduce_sum3A_34 [1] : vector<1000x256xf32> to vector<1000xf32>
    %broadcast_in_dim3A_36 = vector.shape_cast %reduce_sum3A_35 : vector<1000xf32> to vector<1000x1xf32>
    %div3A_37 = arith.constant 2.560000e+02 : f32
    %div3A_38 = vector.broadcast %div3A_37 : f32 to vector<1000x1xf32>
    %div3A_39 = arith.divf %broadcast_in_dim3A_36, %div3A_38 : vector<1000x1xf32>
    %sub3A_40 = vector.broadcast %div3A_32 : vector<1000x1xf32> to vector<1000x256xf32>
    %sub3A_41 = arith.subf %add3A_28, %sub3A_40 : vector<1000x256xf32>
    %add3A_42 = arith.constant 9.99999974E-6 : f32
    %add3A_43 = vector.broadcast %add3A_42 : f32 to vector<1000x1xf32>
    %add3A_44 = arith.addf %div3A_39, %add3A_43 : vector<1000x1xf32>
    %rsqrt3A = math.rsqrt %add3A_44 : vector<1000x1xf32>
    %mul3A = vector.broadcast %rsqrt3A : vector<1000x1xf32> to vector<1000x256xf32>
    %mul3A_45 = arith.mulf %sub3A_41, %mul3A : vector<1000x256xf32>
    %get3A_46 = arith.constant 0 : index
    %get3A_47 = arith.constant 0 : index
    %get3A_48 = vector.load %arg7[%get3A_46, %get3A_47] : memref<1x256xf32, #tpu.memory_space<vmem>>, vector<1x256xf32>
    %mul3A_49 = vector.broadcast %get3A_48 : vector<1x256xf32> to vector<1000x256xf32>
    %mul3A_50 = arith.mulf %mul3A_45, %mul3A_49 : vector<1000x256xf32>
    %get3A_51 = arith.constant 0 : index
    %get3A_52 = arith.constant 0 : index
    %get3A_53 = vector.load %arg8[%get3A_51, %get3A_52] : memref<1x256xf32, #tpu.memory_space<vmem>>, vector<1x256xf32>
    %add3A_54 = vector.broadcast %get3A_53 : vector<1x256xf32> to vector<1000x256xf32>
    %add3A_55 = arith.addf %mul3A_50, %add3A_54 : vector<1000x256xf32>
    %max3A_56 = arith.constant 0.000000e+00 : f32
    %max3A_57 = vector.broadcast %max3A_56 : f32 to vector<1000x256xf32>
    %max3A_58 = arith.maximumf %add3A_55, %max3A_57 : vector<1000x256xf32>
    %slice3A_59 = vector.extract_strided_slice %max3A_58 {offsets = [0, 0], sizes = [1000, 128], strides = [1, 1]} : vector<1000x256xf32> to vector<1000x128xf32>
    %swap3A = arith.constant 0 : index
    %swap3A_60 = arith.constant 0 : index
    %swap3A_61 = vector.load %arg9[%swap3A, %swap3A_60] : memref<1000x128xf32, #tpu.memory_space<vmem>>, vector<1000x128xf32>
    tpu.vector_store %arg9[%swap3A, %swap3A_60], %slice3A_59 {strides = array<i32>} : memref<1000x128xf32, #tpu.memory_space<vmem>>, vector<1000x128xf32>,
    %slice3A_62 = vector.extract_strided_slice %max3A_58 {offsets = [0, 128], sizes = [1000, 128], strides = [1, 1]} : vector<1000x256xf32> to vector<1000x128xf32>
    %swap3A_63 = arith.constant 0 : index
    %swap3A_64 = arith.constant 0 : index
    %swap3A_65 = vector.load %arg10[%swap3A_63, %swap3A_64] : memref<1000x128xf32, #tpu.memory_space<vmem>>, vector<1000x128xf32>
    tpu.vector_store %arg10[%swap3A_63, %swap3A_64], %slice3A_62 {strides = array<i32>} : memref<1000x128xf32, #tpu.memory_space<vmem>>, vector<1000x128xf32>,
    return
  }
  func.func @transform_0(%arg0: i32) -> (i32, i32) {
    %c0_i32 = arith.constant 0 : i32
    %c0_i32_0 = arith.constant 0 : i32
    return %arg0, %c0_i32 : i32, i32
  }
  func.func @transform_1(%arg0: i32) -> (i32, i32, i32) {
    %c0_i32 = arith.constant 0 : i32
    %c0_i32_0 = arith.constant 0 : i32
    %c0_i32_1 = arith.constant 0 : i32
    return %c0_i32, %arg0, %c0_i32_0 : i32, i32, i32
  }
  func.func @transform_2(%arg0: i32) -> (i32, i32) {
    %c0_i32 = arith.constant 0 : i32
    %c0_i32_0 = arith.constant 0 : i32
    return %arg0, %c0_i32 : i32, i32
  }
  func.func @transform_3(%arg0: i32) -> (i32, i32) {
    %c0_i32 = arith.constant 0 : i32
    %c0_i32_0 = arith.constant 0 : i32
    %c0_i32_1 = arith.constant 0 : i32
    return %c0_i32, %c0_i32_0 : i32, i32
  }
  func.func @transform_4(%arg0: i32) -> (i32, i32) {
    %c0_i32 = arith.constant 0 : i32
    %c0_i32_0 = arith.constant 0 : i32
    %c0_i32_1 = arith.constant 0 : i32
    return %c0_i32, %c0_i32_0 : i32, i32
  }
  func.func @transform_5(%arg0: i32) -> (i32, i32) {
    %c0_i32 = arith.constant 0 : i32
    %c0_i32_0 = arith.constant 0 : i32
    %c0_i32_1 = arith.constant 0 : i32
    return %c0_i32, %c0_i32_0 : i32, i32
  }
  func.func @transform_6(%arg0: i32) -> (i32, i32) {
    %c0_i32 = arith.constant 0 : i32
    %c0_i32_0 = arith.constant 0 : i32
    %c0_i32_1 = arith.constant 0 : i32
    return %c0_i32, %c0_i32_0 : i32, i32
  }
  func.func @transform_7(%arg0: i32) -> (i32, i32) {
    %c0_i32 = arith.constant 0 : i32
    %c0_i32_0 = arith.constant 0 : i32
    %c0_i32_1 = arith.constant 0 : i32
    return %c0_i32, %c0_i32_0 : i32, i32
  }
  func.func @transform_8(%arg0: i32) -> (i32, i32) {
    %c0_i32 = arith.constant 0 : i32
    %c0_i32_0 = arith.constant 0 : i32
    return %arg0, %c0_i32 : i32, i32
  }
  func.func @transform_9(%arg0: i32) -> (i32, i32) {
    %c0_i32 = arith.constant 0 : i32
    %c0_i32_0 = arith.constant 0 : i32
    return %arg0, %c0_i32 : i32, i32
  }
}

module attributes {stable_mosaic.version = 14 : i64} {
  func.func @body(%arg0: i32, %arg1: memref<1000x128xf32, #tpu.memory_space<vmem>>, %arg2: memref<1000x128xf32, #tpu.memory_space<vmem>>, %arg3: memref<2x1000x128xf32, #tpu.memory_space<vmem>>, %arg4: memref<1000x1xf32, #tpu.memory_space<vmem>>, %arg5: memref<256x256xf32, #tpu.memory_space<vmem>>, %arg6: memref<256x256xf32, #tpu.memory_space<vmem>>, %arg7: memref<1x256xf32, #tpu.memory_space<vmem>>, %arg8: memref<1x256xf32, #tpu.memory_space<vmem>>, %arg9: memref<1x256xf32, #tpu.memory_space<vmem>>, %arg10: memref<256x47xf32, #tpu.memory_space<vmem>>, %arg11: memref<1x47xf32, #tpu.memory_space<vmem>>, %arg12: memref<1000x47xf32, #tpu.memory_space<vmem>>) attributes {dimension_semantics = [#tpu.dimension_semantics<arbitrary>], iteration_bounds = array<i64: 10>, scalar_prefetch = 0 : i64, scratch_operands = 0 : i64, tpu.core_type = #tpu.core_type<tc>, window_params = [{transform_indices = @transform_0, window_bounds = array<i64: 1000, 128>}, {transform_indices = @transform_1, window_bounds = array<i64: 1000, 128>}, {transform_indices = @transform_2, window_bounds = array<i64: 2, 1000, 128>}, {transform_indices = @transform_3, window_bounds = array<i64: 1000, 1>}, {pipeline_mode = #tpu.pipeline_mode<synchronous>, transform_indices = @transform_4, window_bounds = array<i64: 256, 256>}, {pipeline_mode = #tpu.pipeline_mode<synchronous>, transform_indices = @transform_5, window_bounds = array<i64: 256, 256>}, {pipeline_mode = #tpu.pipeline_mode<synchronous>, transform_indices = @transform_6, window_bounds = array<i64: 1, 256>}, {pipeline_mode = #tpu.pipeline_mode<synchronous>, transform_indices = @transform_7, window_bounds = array<i64: 1, 256>}, {pipeline_mode = #tpu.pipeline_mode<synchronous>, transform_indices = @transform_8, window_bounds = array<i64: 1, 256>}, {pipeline_mode = #tpu.pipeline_mode<synchronous>, transform_indices = @transform_9, window_bounds = array<i64: 256, 47>}, {pipeline_mode = #tpu.pipeline_mode<synchronous>, transform_indices = @transform_10, window_bounds = array<i64: 1, 47>}, {transform_indices = @transform_11, window_bounds = array<i64: 1000, 47>}]} {
    %get3A = arith.constant 0 : index
    %get3A_0 = arith.constant 0 : index
    %get3A_1 = vector.load %arg1[%get3A, %get3A_0] : memref<1000x128xf32, #tpu.memory_space<vmem>>, vector<1000x128xf32>
    %get3A_2 = arith.constant 0 : index
    %get3A_3 = arith.constant 0 : index
    %get3A_4 = vector.load %arg2[%get3A_2, %get3A_3] : memref<1000x128xf32, #tpu.memory_space<vmem>>, vector<1000x128xf32>
    %concatenate3A = tpu.concatenate %get3A_1, %get3A_4 in 1 : vector<1000x128xf32>, vector<1000x128xf32> -> vector<1000x256xf32>
    %get3A_5 = arith.constant 0 : index
    %get3A_6 = arith.constant 0 : index
    %get3A_7 = arith.constant 0 : index
    %get3A_8 = vector.load %arg3[%get3A_5, %get3A_6, %get3A_7] : memref<2x1000x128xf32, #tpu.memory_space<vmem>>, vector<1x1000x128xf32>
    %get3A_9 = vector.shape_cast %get3A_8 : vector<1x1000x128xf32> to vector<1000x128xf32>
    %get3A_10 = arith.constant 1 : index
    %get3A_11 = arith.constant 0 : index
    %get3A_12 = arith.constant 0 : index
    %get3A_13 = vector.load %arg3[%get3A_10, %get3A_11, %get3A_12] : memref<2x1000x128xf32, #tpu.memory_space<vmem>>, vector<1x1000x128xf32>
    %get3A_14 = vector.shape_cast %get3A_13 : vector<1x1000x128xf32> to vector<1000x128xf32>
    %concatenate3A_15 = tpu.concatenate %get3A_9, %get3A_14 in 1 : vector<1000x128xf32>, vector<1000x128xf32> -> vector<1000x256xf32>
    %get3A_16 = arith.constant 0 : index
    %get3A_17 = arith.constant 0 : index
    %get3A_18 = vector.load %arg4[%get3A_16, %get3A_17] : memref<1000x1xf32, #tpu.memory_space<vmem>>, vector<1000x1xf32>
    %max3A = arith.constant 1.000000e+00 : f32
    %max3A_19 = vector.broadcast %max3A : f32 to vector<1000x1xf32>
    %max3A_20 = arith.maximumf %get3A_18, %max3A_19 : vector<1000x1xf32>
    %div3A = vector.broadcast %max3A_20 : vector<1000x1xf32> to vector<1000x256xf32>
    %div3A_21 = arith.divf %concatenate3A_15, %div3A : vector<1000x256xf32>
    %get3A_22 = arith.constant 0 : index
    %get3A_23 = arith.constant 0 : index
    %get3A_24 = vector.load %arg5[%get3A_22, %get3A_23] : memref<256x256xf32, #tpu.memory_space<vmem>>, vector<256x256xf32>
    %dot_general3A = arith.constant dense<0.000000e+00> : vector<1000x256xf32>
    %dot_general3A_25 = tpu.matmul %div3A_21, %get3A_24, %dot_general3A {dimension_numbers = #tpu.dot_dimension_numbers<[1], [0], [0], [1], [0, 0, 1, 1], [], []>, transpose_lhs_hint = false} : vector<1000x256xf32>, vector<256x256xf32>, vector<1000x256xf32> -> vector<1000x256xf32>
    %get3A_26 = arith.constant 0 : index
    %get3A_27 = arith.constant 0 : index
    %get3A_28 = vector.load %arg6[%get3A_26, %get3A_27] : memref<256x256xf32, #tpu.memory_space<vmem>>, vector<256x256xf32>
    %dot_general3A_29 = arith.constant dense<0.000000e+00> : vector<1000x256xf32>
    %dot_general3A_30 = tpu.matmul %concatenate3A, %get3A_28, %dot_general3A_29 {dimension_numbers = #tpu.dot_dimension_numbers<[1], [0], [0], [1], [0, 0, 1, 1], [], []>, transpose_lhs_hint = false} : vector<1000x256xf32>, vector<256x256xf32>, vector<1000x256xf32> -> vector<1000x256xf32>
    %add3A = arith.addf %dot_general3A_25, %dot_general3A_30 : vector<1000x256xf32>
    %get3A_31 = arith.constant 0 : index
    %get3A_32 = arith.constant 0 : index
    %get3A_33 = vector.load %arg7[%get3A_31, %get3A_32] : memref<1x256xf32, #tpu.memory_space<vmem>>, vector<1x256xf32>
    %add3A_34 = vector.broadcast %get3A_33 : vector<1x256xf32> to vector<1000x256xf32>
    %add3A_35 = arith.addf %add3A, %add3A_34 : vector<1000x256xf32>
    %reduce_sum3A = arith.constant dense<0.000000e+00> : vector<1000xf32>
    %reduce_sum3A_36 = vector.multi_reduction <add>, %add3A_35, %reduce_sum3A [1] : vector<1000x256xf32> to vector<1000xf32>
    %broadcast_in_dim3A = vector.shape_cast %reduce_sum3A_36 : vector<1000xf32> to vector<1000x1xf32>
    %div3A_37 = arith.constant 2.560000e+02 : f32
    %div3A_38 = vector.broadcast %div3A_37 : f32 to vector<1000x1xf32>
    %div3A_39 = arith.divf %broadcast_in_dim3A, %div3A_38 : vector<1000x1xf32>
    %sub3A = vector.broadcast %div3A_39 : vector<1000x1xf32> to vector<1000x256xf32>
    %sub3A_40 = arith.subf %add3A_35, %sub3A : vector<1000x256xf32>
    %integer_pow3A = arith.mulf %sub3A_40, %sub3A_40 : vector<1000x256xf32>
    %reduce_sum3A_41 = arith.constant dense<0.000000e+00> : vector<1000xf32>
    %reduce_sum3A_42 = vector.multi_reduction <add>, %integer_pow3A, %reduce_sum3A_41 [1] : vector<1000x256xf32> to vector<1000xf32>
    %broadcast_in_dim3A_43 = vector.shape_cast %reduce_sum3A_42 : vector<1000xf32> to vector<1000x1xf32>
    %div3A_44 = arith.constant 2.560000e+02 : f32
    %div3A_45 = vector.broadcast %div3A_44 : f32 to vector<1000x1xf32>
    %div3A_46 = arith.divf %broadcast_in_dim3A_43, %div3A_45 : vector<1000x1xf32>
    %sub3A_47 = vector.broadcast %div3A_39 : vector<1000x1xf32> to vector<1000x256xf32>
    %sub3A_48 = arith.subf %add3A_35, %sub3A_47 : vector<1000x256xf32>
    %add3A_49 = arith.constant 9.99999974E-6 : f32
    %add3A_50 = vector.broadcast %add3A_49 : f32 to vector<1000x1xf32>
    %add3A_51 = arith.addf %div3A_46, %add3A_50 : vector<1000x1xf32>
    %rsqrt3A = math.rsqrt %add3A_51 : vector<1000x1xf32>
    %mul3A = vector.broadcast %rsqrt3A : vector<1000x1xf32> to vector<1000x256xf32>
    %mul3A_52 = arith.mulf %sub3A_48, %mul3A : vector<1000x256xf32>
    %get3A_53 = arith.constant 0 : index
    %get3A_54 = arith.constant 0 : index
    %get3A_55 = vector.load %arg8[%get3A_53, %get3A_54] : memref<1x256xf32, #tpu.memory_space<vmem>>, vector<1x256xf32>
    %mul3A_56 = vector.broadcast %get3A_55 : vector<1x256xf32> to vector<1000x256xf32>
    %mul3A_57 = arith.mulf %mul3A_52, %mul3A_56 : vector<1000x256xf32>
    %get3A_58 = arith.constant 0 : index
    %get3A_59 = arith.constant 0 : index
    %get3A_60 = vector.load %arg9[%get3A_58, %get3A_59] : memref<1x256xf32, #tpu.memory_space<vmem>>, vector<1x256xf32>
    %add3A_61 = vector.broadcast %get3A_60 : vector<1x256xf32> to vector<1000x256xf32>
    %add3A_62 = arith.addf %mul3A_57, %add3A_61 : vector<1000x256xf32>
    %max3A_63 = arith.constant 0.000000e+00 : f32
    %max3A_64 = vector.broadcast %max3A_63 : f32 to vector<1000x256xf32>
    %max3A_65 = arith.maximumf %add3A_62, %max3A_64 : vector<1000x256xf32>
    %get3A_66 = arith.constant 0 : index
    %get3A_67 = arith.constant 0 : index
    %get3A_68 = vector.load %arg10[%get3A_66, %get3A_67] : memref<256x47xf32, #tpu.memory_space<vmem>>, vector<256x47xf32>
    %dot_general3A_69 = arith.constant dense<0.000000e+00> : vector<1000x47xf32>
    %dot_general3A_70 = tpu.matmul %max3A_65, %get3A_68, %dot_general3A_69 {dimension_numbers = #tpu.dot_dimension_numbers<[1], [0], [0], [1], [0, 0, 1, 1], [], []>, transpose_lhs_hint = false} : vector<1000x256xf32>, vector<256x47xf32>, vector<1000x47xf32> -> vector<1000x47xf32>
    %get3A_71 = arith.constant 0 : index
    %get3A_72 = arith.constant 0 : index
    %get3A_73 = vector.load %arg11[%get3A_71, %get3A_72] : memref<1x47xf32, #tpu.memory_space<vmem>>, vector<1x47xf32>
    %add3A_74 = vector.broadcast %get3A_73 : vector<1x47xf32> to vector<1000x47xf32>
    %add3A_75 = arith.addf %dot_general3A_70, %add3A_74 : vector<1000x47xf32>
    %swap3A = arith.constant 0 : index
    %swap3A_76 = arith.constant 0 : index
    %swap3A_77 = vector.load %arg12[%swap3A, %swap3A_76] : memref<1000x47xf32, #tpu.memory_space<vmem>>, vector<1000x47xf32>
    tpu.vector_store %arg12[%swap3A, %swap3A_76], %add3A_75 {strides = array<i32>} : memref<1000x47xf32, #tpu.memory_space<vmem>>, vector<1000x47xf32>,
    return
  }
  func.func @transform_0(%arg0: i32) -> (i32, i32) {
    %c0_i32 = arith.constant 0 : i32
    %c0_i32_0 = arith.constant 0 : i32
    return %arg0, %c0_i32 : i32, i32
  }
  func.func @transform_1(%arg0: i32) -> (i32, i32) {
    %c0_i32 = arith.constant 0 : i32
    %c0_i32_0 = arith.constant 0 : i32
    return %arg0, %c0_i32 : i32, i32
  }
  func.func @transform_2(%arg0: i32) -> (i32, i32, i32) {
    %c0_i32 = arith.constant 0 : i32
    %c0_i32_0 = arith.constant 0 : i32
    %c0_i32_1 = arith.constant 0 : i32
    return %c0_i32, %arg0, %c0_i32_0 : i32, i32, i32
  }
  func.func @transform_3(%arg0: i32) -> (i32, i32) {
    %c0_i32 = arith.constant 0 : i32
    %c0_i32_0 = arith.constant 0 : i32
    return %arg0, %c0_i32 : i32, i32
  }
  func.func @transform_4(%arg0: i32) -> (i32, i32) {
    %c0_i32 = arith.constant 0 : i32
    %c0_i32_0 = arith.constant 0 : i32
    %c0_i32_1 = arith.constant 0 : i32
    return %c0_i32, %c0_i32_0 : i32, i32
  }
  func.func @transform_5(%arg0: i32) -> (i32, i32) {
    %c0_i32 = arith.constant 0 : i32
    %c0_i32_0 = arith.constant 0 : i32
    %c0_i32_1 = arith.constant 0 : i32
    return %c0_i32, %c0_i32_0 : i32, i32
  }
  func.func @transform_6(%arg0: i32) -> (i32, i32) {
    %c0_i32 = arith.constant 0 : i32
    %c0_i32_0 = arith.constant 0 : i32
    %c0_i32_1 = arith.constant 0 : i32
    return %c0_i32, %c0_i32_0 : i32, i32
  }
  func.func @transform_7(%arg0: i32) -> (i32, i32) {
    %c0_i32 = arith.constant 0 : i32
    %c0_i32_0 = arith.constant 0 : i32
    %c0_i32_1 = arith.constant 0 : i32
    return %c0_i32, %c0_i32_0 : i32, i32
  }
  func.func @transform_8(%arg0: i32) -> (i32, i32) {
    %c0_i32 = arith.constant 0 : i32
    %c0_i32_0 = arith.constant 0 : i32
    %c0_i32_1 = arith.constant 0 : i32
    return %c0_i32, %c0_i32_0 : i32, i32
  }
  func.func @transform_9(%arg0: i32) -> (i32, i32) {
    %c0_i32 = arith.constant 0 : i32
    %c0_i32_0 = arith.constant 0 : i32
    %c0_i32_1 = arith.constant 0 : i32
    return %c0_i32, %c0_i32_0 : i32, i32
  }
  func.func @transform_10(%arg0: i32) -> (i32, i32) {
    %c0_i32 = arith.constant 0 : i32
    %c0_i32_0 = arith.constant 0 : i32
    %c0_i32_1 = arith.constant 0 : i32
    return %c0_i32, %c0_i32_0 : i32, i32
  }
  func.func @transform_11(%arg0: i32) -> (i32, i32) {
    %c0_i32 = arith.constant 0 : i32
    %c0_i32_0 = arith.constant 0 : i32
    return %arg0, %c0_i32 : i32, i32
  }
}

</mosaic_0001>

<sc_bundles>
// kernel: kernel.10.cloned.1.call-start
scs
__scs_entry_jumppad:
0x0: {  	(pc) =	sbr.rel $0x88, $3  }
0x1: {  	(tag) =	ssettag $0x0;
	lr =	simm.s32 $0x1  }
0x2: {  	[smem:$0x3F93] =	sst lr;
	_ =	strace $0xD0000000  }
0x3: {  	_ = 	snop  }
0x4: {  	_ = 	snop  }
0x5: {  	_ = 	snop  }
0x6: {  	_ = 	snop  }
0x7: {  	_ = 	snop  }
__scs_overlays_trampoline_lowered:
0x8: {  	[smem:$0x3FA2] =	sst s0  }
0x9: {  	[smem:$0x3FA3] =	sst s1  }
0xa: {  	[smem:$0x3FA4] =	sst s2  }
0xb: {  	[smem:$0x3FA5] =	sst s3  }
0xc: {  	[smem:$0x3FA6] =	sst s4  }
0xd: {  	[smem:$0x3FA7] =	sst s5  }
0xe: {  	[smem:$0x3FA8] =	sst s6  }
0xf: {  	[smem:$0x3FA9] =	sst s7  }
0x10: {  	[smem:$0x3FAA] =	sst s8  }
0x11: {  	[smem:$0x3FAB] =	sst s9;
	s0 =	simm.s32 @!p0 $0x0  }
0x12: {  	s1 =	sld [smem:$0x3F91];
	s0 =	simm.s32 @p0 $0x1  }
0x13: {  	[smem:$0x3FAC] =	sst s0;
	s0 =	simm.s32 @!p1 $0x0  }
0x14: {  	s2 =	sld [smem:$0x3F90];
	s0 =	simm.s32 @p1 $0x1  }
0x15: {  	[smem:$0x3FAD] =	sst s0;
	s0 =	simm.s32 @!p2 $0x0  }
0x16: {  	s3 =	sld [smem:$0x3FDB];
	s0 =	simm.s32 @p2 $0x1  }
0x17: {  	s4 =	simm.s32 $0x1BF5;
	[smem:$0x3FAF] =	sst s0  }
0x18: {  	s0 =	sld [smem:$0x3F92];
	_ =	swait.ge [sflag:s4], $0x0  }
0x19: {  	s7 =	sld [smem:$0x3F93]  }
0x1a: {  	s8 =	sadd.s32 $0xFFFFE003, lr  }
0x1b: {  	s9 =	sadd.s32 $0xFFFFFEF7, lr;
	s5 =	simm.s32 $0xFFFFFFFF;
	p2 =	slt.u32 s8, $0xFFFFF086  }
0x1c: {  	p1 =	slt.u32 s9, $0xF7A;
	s5 =	simm.s32 @!p2 $0x0  }
0x1d: {  	s5 =	simm.s32 @p1 $0x1;
	p0 =	seq.s32 s7, s2  }
0x1e: {  	s7 =	smul.u32 @!p0 $0xF7A, s2;
	p2 =	seq.s32 @!p0 s5, $0x0  }
0x1f: {  	s9 =	smul.u32 $0xF7A, s1;
	s8 =	simm.s32 @!p0 $0x1BF5;
	p2 =	por !p2, p0  }
0x20: {  	[sflag:s8] =	ssyncset.s32 @!p0 $0xFFFFF086;
	s6 =	sadd.s32 @!p0 s3, s7;
	s7 =	simm.s32 @!p0 $0x108  }
0x21: {  	s3 =	sadd.s32 s3, s9;
	s6 =	sadd.s32 @!p0 $0x88, s6;
	s7 =	simm.s32 @p2 $0x1082  }
0x22: {  	[simem:s7], [sflag:s8] =	dma.local @!p0 [hbm:s6], $0xF7A  }
0x23: {  	s9 =	sor.u32 $0xD0000000, s2;
	s6 =	simm.s32 $0x108;
	_ =	swait.ge @!p0 [sflag:s8], $0x0  }
0x24: {  	s3 =	sadd.s32 $0x88, s3;
	s6 =	simm.s32 @!p1 $0x1082;
	[sflag:s4] =	ssyncset.s32 $0xFFFFF086  }
0x25: {  	[simem:s6], [sflag:s4] =	dma.local [hbm:s3], $0xF7A  }
0x26: {  	[smem:$0x3F93] =	sst s1;
	(tag) =	ssettag s2;
	_ =	strace s9  }
0x27: {  	s1 =	sld [smem:$0x3FA3]  }
0x28: {  	s2 =	sld [smem:$0x3FA4]  }
0x29: {  	s4 =	sld [smem:$0x3FA6]  }
0x2a: {  	p0 =	seq.s32 s5, $0x0;
	s5 =	sld [smem:$0x3FA7]  }
0x2b: {  	s6 =	sld [smem:$0x3FA8]  }
0x2c: {  	s7 =	sld [smem:$0x3FA9]  }
0x2d: {  	s3 =	simm.s32 $0x108;
	s8 =	sld [smem:$0x3FAA]  }
0x2e: {  	s3 =	simm.s32 @!p0 $0x1082;
	s9 =	sld [smem:$0x3FAB]  }
0x2f: {  	lr =	sadd.s32 s0, s3;
	s0 =	sld [smem:$0x3FA2]  }
0x30: {  	s3 =	sld [smem:$0x3FA5]  }
0x31: {  	[smem:$0x3FAE] =	sst s10  }
0x32: {  	s10 =	sld [smem:$0x3FAC];
	_ =	sdelay $0x3  }
0x33: {  	p0 =	seq.s32 s10, $0x1;
	s10 =	sld [smem:$0x3FAE];
	_ =	sdelay $0x3  }
0x34: {  	[smem:$0x3FAE] =	sst s10  }
0x35: {  	s10 =	sld [smem:$0x3FAD];
	_ =	sdelay $0x3  }
0x36: {  	p1 =	seq.s32 s10, $0x1;
	s10 =	sld [smem:$0x3FAE];
	_ =	sdelay $0x3  }
0x37: {  	[smem:$0x3FAE] =	sst s10  }
0x38: {  	s10 =	sld [smem:$0x3FAF]  }
0x39: {  	_ = 	snop;
	(pc) =	sbr.ind lr, $3  }
0x3a: {  	_ = 	snop  }
0x3b: {  	_ = 	snop  }
0x3c: {  	p2 =	seq.s32 s10, $0x1;
	s10 =	sld [smem:$0x3FAE]  }
0x3d: {  	_ =	shalt  }
0x3e: {  	_ =	shalt  }
0x3f: {  	_ =	shalt  }
0x40: {  	_ =	shalt  }
0x41: {  	_ =	shalt  }
0x42: {  	_ =	shalt  }
0x43: {  	_ =	shalt  }
0x44: {  	_ =	shalt  }
0x45: {  	_ =	shalt  }
0x46: {  	_ =	shalt  }
0x47: {  	_ =	shalt  }
0x48: {  	_ =	shalt  }
0x49: {  	_ =	shalt  }
0x4a: {  	_ =	shalt  }
0x4b: {  	_ =	shalt  }
0x4c: {  	_ =	shalt  }
0x4d: {  	_ =	shalt  }
0x4e: {  	_ =	shalt  }
0x4f: {  	_ =	shalt  }
0x50: {  	_ =	shalt  }
0x51: {  	_ =	shalt  }
0x52: {  	_ =	shalt  }
0x53: {  	_ =	shalt  }
0x54: {  	_ =	shalt  }
0x55: {  	_ =	shalt  }
0x56: {  	_ =	shalt  }
0x57: {  	_ =	shalt  }
0x58: {  	_ =	shalt  }
0x59: {  	_ =	shalt  }
0x5a: {  	_ =	shalt  }
0x5b: {  	_ =	shalt  }
0x5c: {  	_ =	shalt  }
0x5d: {  	_ =	shalt  }
0x5e: {  	_ =	shalt  }
0x5f: {  	_ =	shalt  }
0x60: {  	_ =	shalt  }
0x61: {  	_ =	shalt  }
0x62: {  	_ =	shalt  }
0x63: {  	_ =	shalt  }
0x64: {  	_ =	shalt  }
0x65: {  	_ =	shalt  }
0x66: {  	_ =	shalt  }
0x67: {  	_ =	shalt  }
0x68: {  	_ =	shalt  }
0x69: {  	_ =	shalt  }
0x6a: {  	_ =	shalt  }
0x6b: {  	_ =	shalt  }
0x6c: {  	_ =	shalt  }
0x6d: {  	_ =	shalt  }
0x6e: {  	_ =	shalt  }
0x6f: {  	_ =	shalt  }
0x70: {  	_ =	shalt  }
0x71: {  	_ =	shalt  }
0x72: {  	_ =	shalt  }
0x73: {  	_ =	shalt  }
0x74: {  	_ =	shalt  }
0x75: {  	_ =	shalt  }
0x76: {  	_ =	shalt  }
0x77: {  	_ =	shalt  }
0x78: {  	_ =	shalt  }
0x79: {  	_ =	shalt  }
0x7a: {  	_ =	shalt  }
0x7b: {  	_ =	shalt  }
0x7c: {  	_ =	shalt  }
0x7d: {  	_ =	shalt  }
0x7e: {  	_ =	shalt  }
0x7f: {  	_ =	shalt  }
0x80: {  	_ =	shalt  }
0x81: {  	_ =	shalt  }
0x82: {  	_ =	shalt  }
0x83: {  	_ =	shalt  }
0x84: {  	_ =	shalt  }
0x85: {  	_ =	shalt  }
0x86: {  	_ =	shalt  }
0x87: {  	_ =	shalt  }
.Lfunc_end0:
.L_simem_size_0:
called_computation.1_lowered:
.L_overlay_start_0:
0x88: {  	s2 =	sld [smem:$0x3FD9]  }
0x89: {  	s3 =	sld [smem:$0x3FFE];
	_ =	sdelay $0x1  }
0x8a: {  	s1 =	srdreg.scid  }
0x8b: {  	s0 =	sand.u32 $0x1, s1  }
0x8c: {  	s16 =	sshll.u32 s0, $0xA;
	s2 =	sadd.s32 s3, s2  }
0x8d: {  	s2 =	sadd.s32 s2, s16  }
0x8e: {  	[smem:$0x3FBA] =	sst s2  }
0x8f: {  	_ = 	snop  }
0x90: {  	(tm) =	ssettm $0x1  }
0x91: {  	s17 =	sld [smem:$0x3FFB];
	_ =	sdelay $0x3  }
0x92: {  	_ =	strace s17  }
0x93: {  	s2 =	sld [smem:$0x3FFC];
	_ =	sdelay $0x3  }
0x94: {  	_ =	strace s2  }
0x95: {  	s2 =	sld [smem:$0x3FFD];
	_ =	sdelay $0x3  }
0x96: {  	_ =	strace s2  }
0x97: {  	_ =	strace $0x8FFFFFFF  }
0x98: {  	s18 =	sld [smem:$0x3FDB];
	_ =	sdelay $0x1  }
0x99: {  	s19 =	simm.s32 $_scs_section_size  }
0x9a: {  	s4 =	simm.s32 $_size__tile_overlayer_lowered;
	s5 =	simm.s32 $_tile_overlayer_lowered  }
0x9b: {  	s22 =	simm.s32 $0x1BFF;
	s21 =	sshll.u32 s5, $0x1;
	s2 =	sadd.s32 s19, s18  }
0x9c: {  	s6 =	simm.s32 $0x0;
	s20 =	sshll.u32 s4, $0x1;
	s4 =	sadd.s32 s21, s2  }
0x9d: {  	[timem:s6], [sflag:s22] =	dma.local [hbm:s4], s20  }
0x9e: {  	_ =	swait.ge [sflag:s22], s20  }
0x9f: {  	s3 =	ssub.s32 $0x0, s20;
	[sflag:s22] =	ssyncset.done $0x0  }
0xa0: {  	[sflag:s22] =	ssyncadd.s32 s3;
	_ =	sdelay $0x1  }
0xa1: {  	s23 =	simm.s32 $0x1B8B  }
0xa2: {  	_ =	swait.ge [sflag:s23], $0x1  }
0xa3: {  	[sflag:s23] =	ssyncset.done $0x0  }
0xa4: {  	s25 =	simm.s32 $0x1B8E;
	s24 =	sld [smem:$0x3FFE];
	[sflag:s23] =	ssyncadd.s32 $0xFFFFFFFF  }
0xa5: {  	s26 =	simm.s32 $execute0_lowered;
	[smem:$0x3FD2] =	sst s25  }
0xa6: {  	s4 =	sshll.u32 s26, $0x1;
	_ =	strace $0x80000049;
	[dreg:$0x1] =	wrdreg $0xFFFFFFFF  }
0xa7: {  	s28 =	simm.s32 $_size_execute0_lowered;
	s2 =	sadd.s32 s2, s4;
	[dreg:$0x0] =	wrdreg $0x0  }
0xa8: {  	s4 =	sshll.u32 s28, $0x1;
	[dreg:$0x2] =	wrdreg s2  }
0xa9: {  	[dreg:$0x3] =	wrdreg s4  }
0xaa: {  	[dreg:$0x4] =	wrdreg $0xC0  }
0xab: {  	_ =	task [dreg:s6], $0x5FFFF  }
0xac: {  	[dreg:$0x1] =	wrdreg $0xFFFFFFFF  }
0xad: {  	[dreg:$0x0] =	wrdreg $0x60  }
0xae: {  	[dreg:$0x2] =	wrdreg s24  }
0xaf: {  	[dreg:$0x3] =	wrdreg $0x98000  }
0xb0: {  	[dreg:$0x4] =	wrdreg $0x9  }
0xb1: {  	_ =	task.clear_ibuf [dreg:s6], $0x5FFFF;
	_ =	strace $0x90000049  }
0xb2: {  	s29 =	simm.s32 $0x9;
	_ =	strace $0x8000004B  }
0xb3: {  	_ =	swait.ge [sflag:s29], $0x1  }
0xb4: {  	[sflag:s29] =	ssyncadd.s32 $0xFFFFFFFF  }
0xb5: {  	_ =	strace $0x9000004B  }
0xb6: {  	_ =	sfence  }
0xb7: {  	s30 =	sld [smem:$0x0];
	_ =	sdelay $0x2  }
0xb8: {  	s31 =	sshll.u32 s1, $0xD;
	s1 =	sshrl.u32 s1, $0x2  }
0xb9: {  	s3 =	sand.u32 $0x4000, s31;
	s1 =	sadd.s32 s1, s30  }
0xba: {  	s0 =	sor.u32 s3, s0;
	s1 =	sshll.u32 s1, $0x11  }
0xbb: {  	s0 =	sor.u32 s1, s0  }
0xbc: {  	s0 =	sadd.s32 $0x8F2B, s0  }
0xbd: {  	[sflag:s0] =	ssyncadd.remote.s32 $0x1  }
0xbe: {  	_ =	sfence.sel $0xFFFF  }
0xbf: {  	[dreg:$0x0] =	wrdreg $0xFFFFFFFF;
	(pc) =	sbr.abs _section_cstart, $3  }
0xc0: {  	[dreg:$0x1] =	wrdreg $0xFFFFFFFF  }
0xc1: {  	_ =	task.clear_ibuf [dreg:s6], $0x2FFFF;
	_ =	strace $0x9FFFFFFF  }
0xc2: {  	(tm) =	ssettm $0x7FFFFFFF  }
0xc3: {  	_ =	shalt  }
tec
execute0_lowered:
.L_overlay_start_1:
0x0: {  	(tag) =	ssettag $0x1  }
0x1: {  	s11 =	rddreg [dreg:$0x0]  }
0x2: {  	s2 =	rddreg [dreg:$0x1]  }
0x3: {  	s0 =	rddreg [dreg:$0x2];
	s1 =	stileid.u32  }
0x4: {  	s4 =	srdreg.scid;
	s3 =	simm.s32 $0x0;
	s14 =	simm.s32 $0x52A00  }
0x5: {  	s15 =	simm.s32 $0x50;
	s16 =	simm.s32 $0x2000;
	s17 =	simm.s32 $0x80  }
0x6: {  	s18 =	simm.s32 $0x4800;
	s19 =	simm.s32 $0x1;
	s20 =	simm.s32 $0x7000  }
0x7: {  	s21 =	simm.s32 $0x3;
	s22 =	simm.s32 $0x2;
	s23 =	simm.s32 $0x1B80  }
0x8: {  	s24 =	simm.s32 $0x1C00;
	s5 =	smul.u32 $0x2700, s1;
	s8 =	sand.u32 $0x1, s4  }
0x9: {  	[smem:$0x7FF] =	sst s3;
	s4 =	sadd.s32 $0x3800, s11;
	s9 =	smul.u32 $0x4E000, s1  }
0xa: {  	s31 =	sshll.u32 s1, $0x6;
	s6 =	smul.u32 $0x27100, s8;
	_ =	strace $0x8000004A  }
0xb: {  	s7 =	ssub.s32 $0x2, s8;
	p0 =	seq.s32 s8, $0x0;
	s8 =	sadd.s32 $0x17800, s11  }
0xc: {  	s29 =	sshrl.u32 s7, $0x1;
	s30 =	sshrl.u32 s9, $0x2;
	s14 =	simm.s32 @!p0 $0x79C00  }
.Ltmp0:
0xd: {  	s6 =	sadd.s32 s5, s6;
	s5 =	sadd.s32 s5, s11;
	(pc) =	sbr.rel .LBB2_1-.Ltmp0, $4  }
0xe: {  	s12 =	ssub.s32 s7, s29;
	s13 =	sadd.s32 s30, s2;
	s7 =	smul.u32 $0xA, s1  }
0xf: {  	s10 =	sadd.s32 s6, s11;
	s5 =	sadd.s32 $0x2B800, s5;
	s6 =	sor.u32 $0x1C04, s31  }
0x10: {  	s11 =	sadd.s32 s14, s11;
	s14 =	simm.s32 $0x1000;
	s9 =	sadd.s32 $0xA0E00, s10  }
0x11: {  	s10 =	smax.u32 s12, $0x1;
	s12 =	sshrl.u32 s13, $0x3;
	s13 =	simm.s32 $0x4  }
.LBB2_6:
0x12: {  	s3 =	sadd.s32 $0x1, s3  }
0x13: {  	p0 =	sne.s32 s3, s10  }
.Ltmp1:
0x14: {  	[bflag:$0x0] =	sbarrier.arrive $0xFFFF;
	(pc) =	sbr.rel @!p0 .LBB2_7-.Ltmp1, $4  }
0x15: {  	[hbm:s9], [sflag:s6] =	dma.local [spmem:s12], $0x2800  }
0x16: {  	_ =	swait.ge [sflag:s13], $0x2800  }
0x17: {  	[sflag:s13] =	ssyncset.done $0x0  }
0x18: {  	[sflag:s13] =	ssyncadd.s32 $0xFFFFD800  }
.LBB2_1:
0x19: {  	[spmem:s12], [sflag:s6] =	dma.local [hbm:s5], $0x2800  }
.Ltmp2:
0x1a: {  	_ =	swait.ge [sflag:s13], $0x2800;
	(pc) =	sbr.rel .LBB2_2-.Ltmp2, $4  }
0x1b: {  	[sflag:s13] =	ssyncset.done $0x0  }
0x1c: {  	[sflag:s13] =	ssyncadd.s32 $0xFFFFD800  }
0x1d: {  	[bflag:$0x0] =	sbarrier.arrive $0xFFFF  }
0x1e: {  	s25 =	simm.s32 $0x0  }
.LBB2_5:
0x1f: {  	[spmem:s2] =	stream.indirect.scatter.add.f32 [tilespmem:s20], [sflag:$0x3], $0x80, s23, s15, $0xb8;
	[tilespmem:$0x1D080] =	vst v63  }
0x20: {  	_ =	swait.ge [sflag:s21], $0x2800  }
0x21: {  	[sflag:s21] =	ssyncset.done $0x0  }
0x22: {  	[sflag:s21] =	ssyncadd.s32 $0xFFFFD800  }
0x23: {  	s25 =	sadd.s32 $0x1, s25;
	_ =	swait.ge [sflag:s19], $0x2800  }
0x24: {  	p0 =	sne.s32 s25, $0xA;
	[sflag:s19] =	ssyncset.done $0x0  }
.Ltmp3:
0x25: {  	[sflag:s19] =	ssyncadd.s32 $0xFFFFD800;
	(pc) =	sbr.rel @!p0 .LBB2_6-.Ltmp3, $4  }
0x26: {  	[spmem:s2] =	stream.indirect.scatter.add.f32 [tilespmem:s16], [sflag:$0x3], $0x80, s24, s15, $0xb8;
	[tilespmem:$0x1D080] =	vst v63  }
0x27: {  	_ =	swait.ge [sflag:s21], $0x2800  }
0x28: {  	[sflag:s21] =	ssyncset.done $0x0  }
0x29: {  	[sflag:s21] =	ssyncadd.s32 $0xFFFFD800  }
.LBB2_2:
0x2a: {  	s26 =	sadd.s32 s7, s25  }
0x2b: {  	s28 =	sshll.u32 s26, $0x9  }
0x2c: {  	s26 =	simm.s32 $0x0;
	s29 =	sadd.s32 s28, s8  }
0x2d: {  	[tilespmem:s26], [sflag:$0x4] =	stream.linear.gather [hbm4b:s29+s26], $0xC80, $0x38;
	[tilespmem:$0x1D080] =	vst v63  }
0x2e: {  	_ =	swait.ge [sflag:s13], $0xC80  }
0x2f: {  	[sflag:s13] =	ssyncset.done $0x0  }
0x30: {  	s28 =	sadd.s32 s4, s28;
	[sflag:s13] =	ssyncadd.s32 $0xFFFFF380  }
0x31: {  	[tilespmem:s14], [sflag:$0x4] =	stream.linear.gather [hbm4b:s28+s26], $0xC80, $0x38;
	[tilespmem:$0x1D080] =	vst v63  }
0x32: {  	_ =	swait.ge [sflag:s13], $0xC80  }
0x33: {  	[sflag:s13] =	ssyncset.done $0x0  }
0x34: {  	[sflag:s13] =	ssyncadd.s32 $0xFFFFF380  }
0x35: {  	[tilespmem:s16], [sflag:$0x1] =	stream.indirect.gather [hbm4b:s11+s15], $0x80, s26, s15, $0xb8;
	[tilespmem:$0x1D080] =	vst v63  }
0x36: {  	_ = 	snop  }
0x37: {  	[tilespmem:s18], [sflag:$0x2] =	stream.indirect.gather [hbm4b:s11+s15], $0x80, s17, s15, $0xb8;
	[tilespmem:$0x1D080] =	vst v63  }
.LBB2_3:
0x38: {  	p0 =	seq.s32 s26, $0x0  }
0x39: {  	s28 =	simm.s32 @!p0 $0x3  }
0x3a: {  	_ =	swait.ge @!p0 [sflag:s28], $0x2800  }
0x3b: {  	[sflag:s28] =	ssyncset.done @!p0 $0x0  }
0x3c: {  	[sflag:s28] =	ssyncadd.s32 @!p0 $0xFFFFD800  }
0x3d: {  	_ =	swait.ge [sflag:s19], $0x2800  }
0x3e: {  	s28 =	sshra.s32 s26, $0x2;
	[sflag:s19] =	ssyncset.done $0x0  }
0x3f: {  	s29 =	sadd.s32 $0x100, s28;
	[sflag:s19] =	ssyncadd.s32 $0xFFFFD800  }
0x40: {  	[tilespmem:s20], [sflag:$0x1] =	stream.indirect.gather [hbm4b:s11+s15], $0x80, s29, s15, $0xb8;
	[tilespmem:$0x1D080] =	vst v63  }
0x41: {  	s31 =	sadd.s32 $0x1000, s28  }
0x42: {  	[spmem:s2] =	stream.indirect.scatter.add.f32 [tilespmem:s16], [sflag:$0x3], $0x80, s31, s15, $0xb8;
	[tilespmem:$0x1D080] =	vst v63  }
0x43: {  	_ =	swait.ge [sflag:s21], $0x2800  }
0x44: {  	[sflag:s21] =	ssyncset.done $0x0  }
0x45: {  	[sflag:s21] =	ssyncadd.s32 $0xFFFFD800  }
0x46: {  	_ =	swait.ge [sflag:s22], $0x2800  }
0x47: {  	[sflag:s22] =	ssyncset.done $0x0  }
0x48: {  	s30 =	sadd.s32 $0x180, s28;
	[sflag:s22] =	ssyncadd.s32 $0xFFFFD800  }
0x49: {  	[tilespmem:s16], [sflag:$0x2] =	stream.indirect.gather [hbm4b:s11+s15], $0x80, s30, s15, $0xb8;
	[tilespmem:$0x1D080] =	vst v63  }
0x4a: {  	s31 =	sadd.s32 $0x1080, s28  }
0x4b: {  	[spmem:s2] =	stream.indirect.scatter.add.f32 [tilespmem:s18], [sflag:$0x3], $0x80, s31, s15, $0xb8;
	[tilespmem:$0x1D080] =	vst v63  }
0x4c: {  	_ =	swait.ge [sflag:s21], $0x2800  }
0x4d: {  	[sflag:s21] =	ssyncset.done $0x0  }
0x4e: {  	[sflag:s21] =	ssyncadd.s32 $0xFFFFD800  }
0x4f: {  	_ =	swait.ge [sflag:s19], $0x2800  }
0x50: {  	[sflag:s19] =	ssyncset.done $0x0  }
0x51: {  	s30 =	sadd.s32 $0x200, s28;
	[sflag:s19] =	ssyncadd.s32 $0xFFFFD800  }
0x52: {  	[tilespmem:s18], [sflag:$0x1] =	stream.indirect.gather [hbm4b:s11+s15], $0x80, s30, s15, $0xb8;
	[tilespmem:$0x1D080] =	vst v63  }
0x53: {  	s31 =	sadd.s32 $0x1100, s28  }
0x54: {  	[spmem:s2] =	stream.indirect.scatter.add.f32 [tilespmem:s20], [sflag:$0x3], $0x80, s31, s15, $0xb8;
	[tilespmem:$0x1D080] =	vst v63  }
0x55: {  	_ =	swait.ge [sflag:s21], $0x2800  }
0x56: {  	[sflag:s21] =	ssyncset.done $0x0  }
0x57: {  	[sflag:s21] =	ssyncadd.s32 $0xFFFFD800  }
0x58: {  	_ =	swait.ge [sflag:s22], $0x2800  }
0x59: {  	[sflag:s22] =	ssyncset.done $0x0  }
0x5a: {  	s30 =	sadd.s32 $0x280, s28;
	[sflag:s22] =	ssyncadd.s32 $0xFFFFD800  }
0x5b: {  	[tilespmem:s20], [sflag:$0x2] =	stream.indirect.gather [hbm4b:s11+s15], $0x80, s30, s15, $0xb8;
	[tilespmem:$0x1D080] =	vst v63  }
0x5c: {  	s31 =	sadd.s32 $0x1180, s28  }
0x5d: {  	[spmem:s2] =	stream.indirect.scatter.add.f32 [tilespmem:s16], [sflag:$0x3], $0x80, s31, s15, $0xb8;
	[tilespmem:$0x1D080] =	vst v63  }
0x5e: {  	_ =	swait.ge [sflag:s21], $0x2800  }
0x5f: {  	[sflag:s21] =	ssyncset.done $0x0  }
0x60: {  	[sflag:s21] =	ssyncadd.s32 $0xFFFFD800  }
0x61: {  	_ =	swait.ge [sflag:s19], $0x2800  }
0x62: {  	[sflag:s19] =	ssyncset.done $0x0  }
0x63: {  	s30 =	sadd.s32 $0x300, s28;
	[sflag:s19] =	ssyncadd.s32 $0xFFFFD800  }
0x64: {  	[tilespmem:s16], [sflag:$0x1] =	stream.indirect.gather [hbm4b:s11+s15], $0x80, s30, s15, $0xb8;
	[tilespmem:$0x1D080] =	vst v63  }
0x65: {  	s31 =	sadd.s32 $0x1200, s28  }
0x66: {  	[spmem:s2] =	stream.indirect.scatter.add.f32 [tilespmem:s18], [sflag:$0x3], $0x80, s31, s15, $0xb8;
	[tilespmem:$0x1D080] =	vst v63  }
0x67: {  	p0 =	seq.s32 s26, $0x2400;
	_ =	swait.ge [sflag:s21], $0x2800  }
.Ltmp4:
0x68: {  	[sflag:s21] =	ssyncset.done $0x0;
	(pc) =	sbr.rel @p0 .LBB2_5-.Ltmp4, $4  }
0x69: {  	[sflag:s21] =	ssyncadd.s32 $0xFFFFD800  }
0x6a: {  	_ =	swait.ge [sflag:s22], $0x2800  }
0x6b: {  	[sflag:s22] =	ssyncset.done $0x0  }
0x6c: {  	[sflag:s22] =	ssyncadd.s32 $0xFFFFD800  }
.Ltmp5:
0x6d: {  	(pc) =	sbr.rel .LBB2_3-.Ltmp5, $4  }
0x6e: {  	s29 =	sadd.s32 $0x380, s28  }
0x6f: {  	[tilespmem:s18], [sflag:$0x2] =	stream.indirect.gather [hbm4b:s11+s15], $0x80, s29, s15, $0xb8;
	[tilespmem:$0x1D080] =	vst v63  }
0x70: {  	s31 =	sadd.s32 $0x1280, s28;
	s26 =	sadd.s32 $0xC00, s26  }
0x71: {  	[spmem:s2] =	stream.indirect.scatter.add.f32 [tilespmem:s20], [sflag:$0x3], $0x80, s31, s15, $0xb8;
	[tilespmem:$0x1D080] =	vst v63  }
.LBB2_7:
0x72: {  	_ =	sfence.sel $0x180000  }
0x73: {  	[bflag:$0x0] =	sbarrier.arrive $0xFFFF  }
0x74: {  	p0 =	sne.s32 s1, $0x0;
	_ =	strace $0x9000004A  }
0x75: {  	s0 =	sadd.s32 @!p0 $0x100000, s0;
	[bflag:$0x2] =	sbarrier.arrive $0xFFFF  }
0x76: {  	[sflag:s0] =	ssyncadd.tile.s32 @!p0 $0x1;
	_ =	shalt  }
.Lfunc_end2:
_tile_overlayer_lowered:
.L_overlay_start_2:
0x77: {  	(tag) =	ssettag $0x2  }
0x78: {  	s0 =	rddreg [dreg:$0x0];
	s2 =	stileid.u32  }
0x79: {  	s1 =	rddreg [dreg:$0x1];
	p0 =	sne.s32 s2, $0x0  }
0x7a: {  	s3 =	rddreg [dreg:$0x2];
	[bflag:$0x3] =	sbarrier.arrive $0xFFFF;
	s2 =	simm.s32 @!p0 $0x1C04  }
0x7b: {  	[timem:s3], [sflag:s2] =	dma.local @!p0 [hbm:s0], s1  }
0x7c: {  	s0 =	simm.s32 @!p0 $0x4  }
0x7d: {  	_ =	swait.ge @!p0 [sflag:s0], s1  }
0x7e: {  	s1 =	ssub.s32 @!p0 $0x0, s1;
	[sflag:s0] =	ssyncset.done @!p0 $0x0  }
0x7f: {  	[sflag:s0] =	ssyncadd.s32 @!p0 s1  }
0x80: {  	[bflag:$0x3] =	sbarrier.arrive $0xFFFF  }
0x81: {  	_ =	shalt  }

// kernel: kernel.7.cloned.1.call-start
scs
__scs_entry_jumppad:
0x0: {  	(pc) =	sbr.rel $0x88, $3  }
0x1: {  	(tag) =	ssettag $0x0;
	lr =	simm.s32 $0x1  }
0x2: {  	[smem:$0x3F93] =	sst lr;
	_ =	strace $0xD0000000  }
0x3: {  	_ = 	snop  }
0x4: {  	_ = 	snop  }
0x5: {  	_ = 	snop  }
0x6: {  	_ = 	snop  }
0x7: {  	_ = 	snop  }
__scs_overlays_trampoline_lowered:
0x8: {  	[smem:$0x3FA2] =	sst s0  }
0x9: {  	[smem:$0x3FA3] =	sst s1  }
0xa: {  	[smem:$0x3FA4] =	sst s2  }
0xb: {  	[smem:$0x3FA5] =	sst s3  }
0xc: {  	[smem:$0x3FA6] =	sst s4  }
0xd: {  	[smem:$0x3FA7] =	sst s5  }
0xe: {  	[smem:$0x3FA8] =	sst s6  }
0xf: {  	[smem:$0x3FA9] =	sst s7  }
0x10: {  	[smem:$0x3FAA] =	sst s8  }
0x11: {  	[smem:$0x3FAB] =	sst s9;
	s0 =	simm.s32 @!p0 $0x0  }
0x12: {  	s1 =	sld [smem:$0x3F91];
	s0 =	simm.s32 @p0 $0x1  }
0x13: {  	[smem:$0x3FAC] =	sst s0;
	s0 =	simm.s32 @!p1 $0x0  }
0x14: {  	s2 =	sld [smem:$0x3F90];
	s0 =	simm.s32 @p1 $0x1  }
0x15: {  	[smem:$0x3FAD] =	sst s0;
	s0 =	simm.s32 @!p2 $0x0  }
0x16: {  	s3 =	sld [smem:$0x3FDB];
	s0 =	simm.s32 @p2 $0x1  }
0x17: {  	s4 =	simm.s32 $0x1BF5;
	[smem:$0x3FAF] =	sst s0  }
0x18: {  	s0 =	sld [smem:$0x3F92];
	_ =	swait.ge [sflag:s4], $0x0  }
0x19: {  	s7 =	sld [smem:$0x3F93]  }
0x1a: {  	s8 =	sadd.s32 $0xFFFFE003, lr  }
0x1b: {  	s9 =	sadd.s32 $0xFFFFFEF7, lr;
	s5 =	simm.s32 $0xFFFFFFFF;
	p2 =	slt.u32 s8, $0xFFFFF086  }
0x1c: {  	p1 =	slt.u32 s9, $0xF7A;
	s5 =	simm.s32 @!p2 $0x0  }
0x1d: {  	s5 =	simm.s32 @p1 $0x1;
	p0 =	seq.s32 s7, s2  }
0x1e: {  	s7 =	smul.u32 @!p0 $0xF7A, s2;
	p2 =	seq.s32 @!p0 s5, $0x0  }
0x1f: {  	s9 =	smul.u32 $0xF7A, s1;
	s8 =	simm.s32 @!p0 $0x1BF5;
	p2 =	por !p2, p0  }
0x20: {  	[sflag:s8] =	ssyncset.s32 @!p0 $0xFFFFF086;
	s6 =	sadd.s32 @!p0 s3, s7;
	s7 =	simm.s32 @!p0 $0x108  }
0x21: {  	s3 =	sadd.s32 s3, s9;
	s6 =	sadd.s32 @!p0 $0x88, s6;
	s7 =	simm.s32 @p2 $0x1082  }
0x22: {  	[simem:s7], [sflag:s8] =	dma.local @!p0 [hbm:s6], $0xF7A  }
0x23: {  	s9 =	sor.u32 $0xD0000000, s2;
	s6 =	simm.s32 $0x108;
	_ =	swait.ge @!p0 [sflag:s8], $0x0  }
0x24: {  	s3 =	sadd.s32 $0x88, s3;
	s6 =	simm.s32 @!p1 $0x1082;
	[sflag:s4] =	ssyncset.s32 $0xFFFFF086  }
0x25: {  	[simem:s6], [sflag:s4] =	dma.local [hbm:s3], $0xF7A  }
0x26: {  	[smem:$0x3F93] =	sst s1;
	(tag) =	ssettag s2;
	_ =	strace s9  }
0x27: {  	s1 =	sld [smem:$0x3FA3]  }
0x28: {  	s2 =	sld [smem:$0x3FA4]  }
0x29: {  	s4 =	sld [smem:$0x3FA6]  }
0x2a: {  	p0 =	seq.s32 s5, $0x0;
	s5 =	sld [smem:$0x3FA7]  }
0x2b: {  	s6 =	sld [smem:$0x3FA8]  }
0x2c: {  	s7 =	sld [smem:$0x3FA9]  }
0x2d: {  	s3 =	simm.s32 $0x108;
	s8 =	sld [smem:$0x3FAA]  }
0x2e: {  	s3 =	simm.s32 @!p0 $0x1082;
	s9 =	sld [smem:$0x3FAB]  }
0x2f: {  	lr =	sadd.s32 s0, s3;
	s0 =	sld [smem:$0x3FA2]  }
0x30: {  	s3 =	sld [smem:$0x3FA5]  }
0x31: {  	[smem:$0x3FAE] =	sst s10  }
0x32: {  	s10 =	sld [smem:$0x3FAC];
	_ =	sdelay $0x3  }
0x33: {  	p0 =	seq.s32 s10, $0x1;
	s10 =	sld [smem:$0x3FAE];
	_ =	sdelay $0x3  }
0x34: {  	[smem:$0x3FAE] =	sst s10  }
0x35: {  	s10 =	sld [smem:$0x3FAD];
	_ =	sdelay $0x3  }
0x36: {  	p1 =	seq.s32 s10, $0x1;
	s10 =	sld [smem:$0x3FAE];
	_ =	sdelay $0x3  }
0x37: {  	[smem:$0x3FAE] =	sst s10  }
0x38: {  	s10 =	sld [smem:$0x3FAF]  }
0x39: {  	_ = 	snop;
	(pc) =	sbr.ind lr, $3  }
0x3a: {  	_ = 	snop  }
0x3b: {  	_ = 	snop  }
0x3c: {  	p2 =	seq.s32 s10, $0x1;
	s10 =	sld [smem:$0x3FAE]  }
0x3d: {  	_ =	shalt  }
0x3e: {  	_ =	shalt  }
0x3f: {  	_ =	shalt  }
0x40: {  	_ =	shalt  }
0x41: {  	_ =	shalt  }
0x42: {  	_ =	shalt  }
0x43: {  	_ =	shalt  }
0x44: {  	_ =	shalt  }
0x45: {  	_ =	shalt  }
0x46: {  	_ =	shalt  }
0x47: {  	_ =	shalt  }
0x48: {  	_ =	shalt  }
0x49: {  	_ =	shalt  }
0x4a: {  	_ =	shalt  }
0x4b: {  	_ =	shalt  }
0x4c: {  	_ =	shalt  }
0x4d: {  	_ =	shalt  }
0x4e: {  	_ =	shalt  }
0x4f: {  	_ =	shalt  }
0x50: {  	_ =	shalt  }
0x51: {  	_ =	shalt  }
0x52: {  	_ =	shalt  }
0x53: {  	_ =	shalt  }
0x54: {  	_ =	shalt  }
0x55: {  	_ =	shalt  }
0x56: {  	_ =	shalt  }
0x57: {  	_ =	shalt  }
0x58: {  	_ =	shalt  }
0x59: {  	_ =	shalt  }
0x5a: {  	_ =	shalt  }
0x5b: {  	_ =	shalt  }
0x5c: {  	_ =	shalt  }
0x5d: {  	_ =	shalt  }
0x5e: {  	_ =	shalt  }
0x5f: {  	_ =	shalt  }
0x60: {  	_ =	shalt  }
0x61: {  	_ =	shalt  }
0x62: {  	_ =	shalt  }
0x63: {  	_ =	shalt  }
0x64: {  	_ =	shalt  }
0x65: {  	_ =	shalt  }
0x66: {  	_ =	shalt  }
0x67: {  	_ =	shalt  }
0x68: {  	_ =	shalt  }
0x69: {  	_ =	shalt  }
0x6a: {  	_ =	shalt  }
0x6b: {  	_ =	shalt  }
0x6c: {  	_ =	shalt  }
0x6d: {  	_ =	shalt  }
0x6e: {  	_ =	shalt  }
0x6f: {  	_ =	shalt  }
0x70: {  	_ =	shalt  }
0x71: {  	_ =	shalt  }
0x72: {  	_ =	shalt  }
0x73: {  	_ =	shalt  }
0x74: {  	_ =	shalt  }
0x75: {  	_ =	shalt  }
0x76: {  	_ =	shalt  }
0x77: {  	_ =	shalt  }
0x78: {  	_ =	shalt  }
0x79: {  	_ =	shalt  }
0x7a: {  	_ =	shalt  }
0x7b: {  	_ =	shalt  }
0x7c: {  	_ =	shalt  }
0x7d: {  	_ =	shalt  }
0x7e: {  	_ =	shalt  }
0x7f: {  	_ =	shalt  }
0x80: {  	_ =	shalt  }
0x81: {  	_ =	shalt  }
0x82: {  	_ =	shalt  }
0x83: {  	_ =	shalt  }
0x84: {  	_ =	shalt  }
0x85: {  	_ =	shalt  }
0x86: {  	_ =	shalt  }
0x87: {  	_ =	shalt  }
.Lfunc_end0:
.L_simem_size_0:
called_computation_lowered:
.L_overlay_start_0:
0x88: {  	s2 =	sld [smem:$0x3FD9]  }
0x89: {  	s3 =	sld [smem:$0x3FFE];
	_ =	sdelay $0x1  }
0x8a: {  	s1 =	srdreg.scid  }
0x8b: {  	s0 =	sand.u32 $0x1, s1  }
0x8c: {  	s17 =	sshll.u32 s0, $0xA;
	s2 =	sadd.s32 s3, s2  }
0x8d: {  	s2 =	sadd.s32 s2, s17  }
0x8e: {  	[smem:$0x3FBA] =	sst s2  }
0x8f: {  	_ = 	snop  }
0x90: {  	s2 =	sld [smem:$0x3FC9]  }
0x91: {  	s18 =	sld [smem:$0x3FD0];
	(tm) =	ssettm $0x1  }
0x92: {  	s4 =	sld [smem:$0x3FFB];
	_ =	sdelay $0x3  }
0x93: {  	_ =	strace s4  }
0x94: {  	s4 =	sld [smem:$0x3FFC];
	_ =	sdelay $0x3  }
0x95: {  	_ =	strace s4  }
0x96: {  	s4 =	sld [smem:$0x3FFD];
	_ =	sdelay $0x3  }
0x97: {  	_ =	strace s4  }
0x98: {  	_ =	strace $0x8FFFFFFF  }
0x99: {  	s19 =	sld [smem:$0x3FDB];
	_ =	sdelay $0x1  }
0x9a: {  	s5 =	simm.s32 $_scs_section_size  }
0x9b: {  	s6 =	simm.s32 $_size__tile_overlayer_lowered;
	s7 =	simm.s32 $_tile_overlayer_lowered  }
0x9c: {  	s22 =	simm.s32 $0x1BFF;
	s21 =	sshll.u32 s7, $0x1;
	s4 =	sadd.s32 s5, s19  }
0x9d: {  	s8 =	simm.s32 $0x0;
	s20 =	sshll.u32 s6, $0x1;
	s6 =	sadd.s32 s21, s4  }
0x9e: {  	[timem:s8], [sflag:s22] =	dma.local [hbm:s6], s20  }
0x9f: {  	_ =	swait.ge [sflag:s22], s20  }
0xa0: {  	s5 =	ssub.s32 $0x0, s20;
	[sflag:s22] =	ssyncset.done $0x0  }
0xa1: {  	[sflag:s22] =	ssyncadd.s32 s5;
	_ =	sdelay $0x1  }
0xa2: {  	s23 =	simm.s32 $0x1B8B  }
0xa3: {  	_ =	swait.ge [sflag:s23], $0x1  }
0xa4: {  	[sflag:s23] =	ssyncset.done $0x0  }
0xa5: {  	s25 =	simm.s32 $0x1B8E;
	s24 =	sld [smem:$0x3FFE];
	[sflag:s23] =	ssyncadd.s32 $0xFFFFFFFF  }
0xa6: {  	s26 =	simm.s32 $execute0_lowered;
	[smem:$0x3FD2] =	sst s25  }
0xa7: {  	s6 =	sshll.u32 s26, $0x1;
	_ =	strace $0x80000046;
	[dreg:$0x1] =	wrdreg $0xFFFFFFFF  }
0xa8: {  	s28 =	simm.s32 $_size_execute0_lowered;
	s4 =	sadd.s32 s4, s6;
	[dreg:$0x0] =	wrdreg $0x0  }
0xa9: {  	s6 =	sshll.u32 s28, $0x1;
	[dreg:$0x2] =	wrdreg s4  }
0xaa: {  	[dreg:$0x3] =	wrdreg s6  }
0xab: {  	[dreg:$0x4] =	wrdreg $0xC0  }
0xac: {  	_ =	task [dreg:s8], $0x5FFFF  }
0xad: {  	[dreg:$0x1] =	wrdreg $0xFFFFFFFF  }
0xae: {  	[dreg:$0x0] =	wrdreg $0x60  }
0xaf: {  	[dreg:$0x2] =	wrdreg s2  }
0xb0: {  	[dreg:$0x3] =	wrdreg s24  }
0xb1: {  	[dreg:$0x4] =	wrdreg s18  }
0xb2: {  	[dreg:$0x5] =	wrdreg $0xBF800  }
0xb3: {  	[dreg:$0x6] =	wrdreg $0x9  }
0xb4: {  	_ =	task.clear_ibuf [dreg:s8], $0x7FFFF;
	_ =	strace $0x90000046  }
0xb5: {  	s29 =	simm.s32 $0x9;
	_ =	strace $0x80000048  }
0xb6: {  	_ =	swait.ge [sflag:s29], $0x1  }
0xb7: {  	[sflag:s29] =	ssyncadd.s32 $0xFFFFFFFF  }
0xb8: {  	_ =	strace $0x90000048  }
0xb9: {  	_ =	sfence  }
0xba: {  	s30 =	sld [smem:$0x0];
	_ =	sdelay $0x2  }
0xbb: {  	s31 =	sshll.u32 s1, $0xD;
	s1 =	sshrl.u32 s1, $0x2  }
0xbc: {  	s3 =	sand.u32 $0x4000, s31;
	s1 =	sadd.s32 s1, s30  }
0xbd: {  	s0 =	sor.u32 s3, s0;
	s1 =	sshll.u32 s1, $0x11  }
0xbe: {  	s0 =	sor.u32 s1, s0  }
0xbf: {  	s0 =	sadd.s32 $0x8F2B, s0  }
0xc0: {  	[sflag:s0] =	ssyncadd.remote.s32 $0x1  }
0xc1: {  	_ =	sfence.sel $0xFFFF  }
0xc2: {  	[dreg:$0x0] =	wrdreg $0xFFFFFFFF;
	(pc) =	sbr.abs _section_cstart, $3  }
0xc3: {  	[dreg:$0x1] =	wrdreg $0xFFFFFFFF  }
0xc4: {  	_ =	task.clear_ibuf [dreg:s8], $0x2FFFF;
	_ =	strace $0x9FFFFFFF  }
0xc5: {  	(tm) =	ssettm $0x7FFFFFFF  }
tec
execute0_lowered:
.L_overlay_start_1:
0x0: {  	(tag) =	ssettag $0x1  }
0x1: {  	s1 =	rddreg [dreg:$0x0]  }
0x2: {  	s0 =	rddreg [dreg:$0x1]  }
0x3: {  	s2 =	rddreg [dreg:$0x2]  }
0x4: {  	s3 =	rddreg [dreg:$0x3]  }
0x5: {  	s4 =	simm.s32 $0x0;
	s15 =	stileid.u32;
	s5 =	srdreg.scid  }
0x6: {  	s17 =	simm.s32 $0x1000;
	s18 =	simm.s32 $0x50;
	s19 =	simm.s32 $0x2000  }
0x7: {  	s20 =	simm.s32 $0x80;
	s21 =	simm.s32 $0x4800;
	s22 =	simm.s32 $0x1  }
0x8: {  	s23 =	simm.s32 $0x7000;
	s24 =	simm.s32 $0x3;
	s28 =	simm.s32 $0x400  }
0x9: {  	s29 =	simm.s32 $0x0;
	[smem:$0x7FF] =	sst s4;
	s7 =	smul.u32 $0x2700, s15  }
0xa: {  	s8 =	sand.u32 $0x1, s5;
	s5 =	sadd.s32 $0x3800, s0;
	s6 =	sadd.s32 $0x52A00, s0  }
0xb: {  	s30 =	smul.u32 $0x4E000, s15;
	s13 =	sshll.u32 s15, $0x7;
	s31 =	sshll.u32 s15, $0x6  }
0xc: {  	_ =	strace $0x80000047;
	s9 =	smul.u32 $0x27100, s8;
	s11 =	sshll.u32 s8, $0x4  }
0xd: {  	s8 =	ssub.s32 $0x2, s8;
	s13 =	sand.u32 $0x380, s13;
	s10 =	sadd.s32 s7, s0  }
0xe: {  	s25 =	sor.u32 s15, s11;
	s14 =	sshrl.u32 s8, $0x1;
	s15 =	sor.u32 $0x1C04, s31  }
0xf: {  	s12 =	sshrl.u32 s25, $0x3;
	s14 =	ssub.s32 s8, s14;
	s8 =	smul.u32 $0x5, s25  }
0x10: {  	s7 =	sadd.s32 s7, s9;
	s9 =	sadd.s32 $0x17800, s0;
	s12 =	smul.u32 $0x13C00, s12  }
.Ltmp0:
0x11: {  	s26 =	sadd.s32 s7, s0;
	s7 =	sshrl.u32 s30, $0x2;
	(pc) =	sbr.rel .LBB2_1-.Ltmp0, $4  }
0x12: {  	s25 =	simm.s32 $0x2;
	s16 =	sadd.s32 s7, s3;
	s7 =	sadd.s32 $0x2B800, s10  }
0x13: {  	s10 =	sadd.s32 $0x53000, s26;
	s26 =	simm.s32 $0x1C00;
	s12 =	sor.u32 s13, s12  }
0x14: {  	s13 =	simm.s32 $0x9800;
	s16 =	sshrl.u32 s16, $0x3;
	s12 =	sshrl.u32 s12, $0x3  }
0x15: {  	v0 =	vimm.f32 $1.000000000e+00;
	s11 =	sadd.s32 s2, s12;
	s12 =	smax.u32 s14, $0x1;
	s14 =	simm.s32 $0x4  }
.LBB2_6:
0x16: {  	[bflag:$0x0] =	sbarrier.arrive $0xFFFF  }
0x17: {  	[hbm:s10], [sflag:s15] =	dma.local [spmem:s16], $0x2800  }
0x18: {  	s29 =	sadd.s32 $0x1, s29;
	_ =	swait.ge [sflag:s14], $0x2800  }
0x19: {  	p0 =	sne.s32 s29, s12;
	[sflag:s14] =	ssyncset.done $0x0  }
.Ltmp1:
0x1a: {  	[sflag:s14] =	ssyncadd.s32 $0xFFFFD800;
	(pc) =	sbr.rel @!p0 .LBB2_7-.Ltmp1, $4  }
0x1b: {  	[hbm4b:s11+s20] =	stream.strided.scatter [tilespmem:s13], [sflag:$0x4], $0x2780, s28, s20, $0x38;
	[tilespmem:$0x1F800] =	vst v63  }
0x1c: {  	_ =	swait.ge [sflag:s14], $0x2780  }
0x1d: {  	[sflag:s14] =	ssyncset.done $0x0  }
0x1e: {  	[sflag:s14] =	ssyncadd.s32 $0xFFFFD880  }
.LBB2_1:
0x1f: {  	[tilespmem:s13], [sflag:$0x4] =	stream.linear.gather [hbm4b:s6+s4], $0x2780, $0x38;
	[tilespmem:$0x1F800] =	vst v63  }
0x20: {  	_ =	swait.ge [sflag:s14], $0x2780  }
0x21: {  	[sflag:s14] =	ssyncset.done $0x0  }
0x22: {  	[sflag:s14] =	ssyncadd.s32 $0xFFFFD880  }
0x23: {  	[spmem:s16], [sflag:s15] =	dma.local [hbm:s7], $0x2800  }
.Ltmp2:
0x24: {  	_ =	swait.ge [sflag:s14], $0x2800;
	(pc) =	sbr.rel .LBB2_2-.Ltmp2, $4  }
0x25: {  	[sflag:s14] =	ssyncset.done $0x0  }
0x26: {  	[sflag:s14] =	ssyncadd.s32 $0xFFFFD800  }
0x27: {  	[bflag:$0x0] =	sbarrier.arrive $0xFFFF  }
0x28: {  	s30 =	simm.s32 $0x0  }
.LBB2_5:
0x29: {  	[spmem:s3] =	stream.indirect.scatter.add.f32 [tilespmem:s23], [sflag:$0x3], $0x80, s2, s18, $0xb8;
	[tilespmem:$0x1F800] =	vst v63  }
0x2a: {  	_ =	swait.ge [sflag:s24], $0x2800  }
0x2b: {  	[sflag:s24] =	ssyncset.done $0x0  }
0x2c: {  	[sflag:s24] =	ssyncadd.s32 $0xFFFFD800  }
0x2d: {  	v1 =	vld [tilespmem:$0x1C00];
	_ =	sdelay $0x7  }
0x2e: {  	[tilespmem:v1+s13+$0x0] =	vst.idx.add.f32.msk $0xffff, v0  }
0x2f: {  	v1 =	vld [tilespmem:$0x1C10];
	_ =	sdelay $0x7  }
0x30: {  	[tilespmem:v1+s13+$0x0] =	vst.idx.add.f32.msk $0xffff, v0  }
0x31: {  	v1 =	vld [tilespmem:$0x1C20];
	_ =	sdelay $0x7  }
0x32: {  	[tilespmem:v1+s13+$0x0] =	vst.idx.add.f32.msk $0xffff, v0  }
0x33: {  	v1 =	vld [tilespmem:$0x1C30];
	_ =	sdelay $0x7  }
0x34: {  	[tilespmem:v1+s13+$0x0] =	vst.idx.add.f32.msk $0xffff, v0  }
0x35: {  	v1 =	vld [tilespmem:$0x1C40];
	_ =	sdelay $0x7  }
0x36: {  	[tilespmem:v1+s13+$0x0] =	vst.idx.add.f32.msk $0xffff, v0  }
0x37: {  	s30 =	sadd.s32 $0x1, s30;
	_ =	swait.ge [sflag:s22], $0x2800  }
0x38: {  	p0 =	sne.s32 s30, $0x5;
	[sflag:s22] =	ssyncset.done $0x0  }
.Ltmp3:
0x39: {  	[sflag:s22] =	ssyncadd.s32 $0xFFFFD800;
	(pc) =	sbr.rel @!p0 .LBB2_6-.Ltmp3, $4  }
0x3a: {  	[spmem:s3] =	stream.indirect.scatter.add.f32 [tilespmem:s19], [sflag:$0x3], $0x80, s26, s18, $0xb8;
	[tilespmem:$0x1F800] =	vst v63  }
0x3b: {  	_ =	swait.ge [sflag:s24], $0x2800  }
0x3c: {  	[sflag:s24] =	ssyncset.done $0x0  }
0x3d: {  	[sflag:s24] =	ssyncadd.s32 $0xFFFFD800  }
.LBB2_2:
0x3e: {  	s0 =	sadd.s32 s8, s30  }
0x3f: {  	s0 =	sshll.u32 s0, $0x9  }
0x40: {  	s31 =	simm.s32 $0x0;
	s2 =	sadd.s32 s0, s9  }
0x41: {  	[tilespmem:s31], [sflag:$0x4] =	stream.linear.gather [hbm4b:s2+s31], $0xC80, $0x38;
	[tilespmem:$0x1F800] =	vst v63  }
0x42: {  	_ =	swait.ge [sflag:s14], $0xC80  }
0x43: {  	[sflag:s14] =	ssyncset.done $0x0  }
0x44: {  	s0 =	sadd.s32 s5, s0;
	[sflag:s14] =	ssyncadd.s32 $0xFFFFF380  }
0x45: {  	[tilespmem:s17], [sflag:$0x4] =	stream.linear.gather [hbm4b:s0+s31], $0xC80, $0x38;
	[tilespmem:$0x1F800] =	vst v63  }
0x46: {  	_ =	swait.ge [sflag:s14], $0xC80  }
0x47: {  	[sflag:s14] =	ssyncset.done $0x0  }
0x48: {  	[sflag:s14] =	ssyncadd.s32 $0xFFFFF380  }
0x49: {  	[tilespmem:s19], [sflag:$0x1] =	stream.indirect.gather [hbm4b:s1+s18], $0x80, s31, s18, $0xb8;
	[tilespmem:$0x1F800] =	vst v63  }
0x4a: {  	_ = 	snop  }
0x4b: {  	[tilespmem:s21], [sflag:$0x2] =	stream.indirect.gather [hbm4b:s1+s18], $0x80, s20, s18, $0xb8;
	[tilespmem:$0x1F800] =	vst v63  }
.LBB2_3:
0x4c: {  	p0 =	seq.s32 s31, $0x0  }
0x4d: {  	s0 =	simm.s32 @!p0 $0x3  }
0x4e: {  	_ =	swait.ge @!p0 [sflag:s0], $0x2800  }
0x4f: {  	[sflag:s0] =	ssyncset.done @!p0 $0x0  }
0x50: {  	[sflag:s0] =	ssyncadd.s32 @!p0 $0xFFFFD800;
	s0 =	sshra.s32 s31, $0x2  }
0x51: {  	v1 =	vld [tilespmem:s0+$0x1000];
	_ =	sdelay $0x7  }
0x52: {  	[tilespmem:v1+s13+$0x0] =	vst.idx.add.f32.msk $0xffff, v0  }
0x53: {  	v1 =	vld [tilespmem:s0+$0x1010];
	_ =	sdelay $0x7  }
0x54: {  	[tilespmem:v1+s13+$0x0] =	vst.idx.add.f32.msk $0xffff, v0  }
0x55: {  	v1 =	vld [tilespmem:s0+$0x1020];
	_ =	sdelay $0x7  }
0x56: {  	[tilespmem:v1+s13+$0x0] =	vst.idx.add.f32.msk $0xffff, v0  }
0x57: {  	v1 =	vld [tilespmem:s0+$0x1030];
	_ =	sdelay $0x7  }
0x58: {  	[tilespmem:v1+s13+$0x0] =	vst.idx.add.f32.msk $0xffff, v0  }
0x59: {  	v1 =	vld [tilespmem:s0+$0x1040];
	_ =	sdelay $0x7  }
0x5a: {  	[tilespmem:v1+s13+$0x0] =	vst.idx.add.f32.msk $0xffff, v0  }
0x5b: {  	_ =	swait.ge [sflag:s22], $0x2800  }
0x5c: {  	[sflag:s22] =	ssyncset.done $0x0  }
0x5d: {  	s2 =	sadd.s32 $0x100, s0;
	[sflag:s22] =	ssyncadd.s32 $0xFFFFD800  }
0x5e: {  	[tilespmem:s23], [sflag:$0x1] =	stream.indirect.gather [hbm4b:s1+s18], $0x80, s2, s18, $0xb8;
	[tilespmem:$0x1F800] =	vst v63  }
0x5f: {  	s2 =	sadd.s32 $0x1000, s0  }
0x60: {  	[spmem:s3] =	stream.indirect.scatter.add.f32 [tilespmem:s19], [sflag:$0x3], $0x80, s2, s18, $0xb8;
	[tilespmem:$0x1F800] =	vst v63  }
0x61: {  	_ =	swait.ge [sflag:s24], $0x2800  }
0x62: {  	[sflag:s24] =	ssyncset.done $0x0  }
0x63: {  	[sflag:s24] =	ssyncadd.s32 $0xFFFFD800  }
0x64: {  	v1 =	vld [tilespmem:s0+$0x1080];
	_ =	sdelay $0x7  }
0x65: {  	[tilespmem:v1+s13+$0x0] =	vst.idx.add.f32.msk $0xffff, v0  }
0x66: {  	v1 =	vld [tilespmem:s0+$0x1090];
	_ =	sdelay $0x7  }
0x67: {  	[tilespmem:v1+s13+$0x0] =	vst.idx.add.f32.msk $0xffff, v0  }
0x68: {  	v1 =	vld [tilespmem:s0+$0x10A0];
	_ =	sdelay $0x7  }
0x69: {  	[tilespmem:v1+s13+$0x0] =	vst.idx.add.f32.msk $0xffff, v0  }
0x6a: {  	v1 =	vld [tilespmem:s0+$0x10B0];
	_ =	sdelay $0x7  }
0x6b: {  	[tilespmem:v1+s13+$0x0] =	vst.idx.add.f32.msk $0xffff, v0  }
0x6c: {  	v1 =	vld [tilespmem:s0+$0x10C0];
	_ =	sdelay $0x7  }
0x6d: {  	[tilespmem:v1+s13+$0x0] =	vst.idx.add.f32.msk $0xffff, v0  }
0x6e: {  	_ =	swait.ge [sflag:s25], $0x2800  }
0x6f: {  	[sflag:s25] =	ssyncset.done $0x0  }
0x70: {  	s2 =	sadd.s32 $0x180, s0;
	[sflag:s25] =	ssyncadd.s32 $0xFFFFD800  }
0x71: {  	[tilespmem:s19], [sflag:$0x2] =	stream.indirect.gather [hbm4b:s1+s18], $0x80, s2, s18, $0xb8;
	[tilespmem:$0x1F800] =	vst v63  }
0x72: {  	s2 =	sadd.s32 $0x1080, s0  }
0x73: {  	[spmem:s3] =	stream.indirect.scatter.add.f32 [tilespmem:s21], [sflag:$0x3], $0x80, s2, s18, $0xb8;
	[tilespmem:$0x1F800] =	vst v63  }
0x74: {  	_ =	swait.ge [sflag:s24], $0x2800  }
0x75: {  	[sflag:s24] =	ssyncset.done $0x0  }
0x76: {  	[sflag:s24] =	ssyncadd.s32 $0xFFFFD800  }
0x77: {  	v1 =	vld [tilespmem:s0+$0x1100];
	_ =	sdelay $0x7  }
0x78: {  	[tilespmem:v1+s13+$0x0] =	vst.idx.add.f32.msk $0xffff, v0  }
0x79: {  	v1 =	vld [tilespmem:s0+$0x1110];
	_ =	sdelay $0x7  }
0x7a: {  	[tilespmem:v1+s13+$0x0] =	vst.idx.add.f32.msk $0xffff, v0  }
0x7b: {  	v1 =	vld [tilespmem:s0+$0x1120];
	_ =	sdelay $0x7  }
0x7c: {  	[tilespmem:v1+s13+$0x0] =	vst.idx.add.f32.msk $0xffff, v0  }
0x7d: {  	v1 =	vld [tilespmem:s0+$0x1130];
	_ =	sdelay $0x7  }
0x7e: {  	[tilespmem:v1+s13+$0x0] =	vst.idx.add.f32.msk $0xffff, v0  }
0x7f: {  	v1 =	vld [tilespmem:s0+$0x1140];
	_ =	sdelay $0x7  }
0x80: {  	[tilespmem:v1+s13+$0x0] =	vst.idx.add.f32.msk $0xffff, v0  }
0x81: {  	_ =	swait.ge [sflag:s22], $0x2800  }
0x82: {  	[sflag:s22] =	ssyncset.done $0x0  }
0x83: {  	s2 =	sadd.s32 $0x200, s0;
	[sflag:s22] =	ssyncadd.s32 $0xFFFFD800  }
0x84: {  	[tilespmem:s21], [sflag:$0x1] =	stream.indirect.gather [hbm4b:s1+s18], $0x80, s2, s18, $0xb8;
	[tilespmem:$0x1F800] =	vst v63  }
0x85: {  	s2 =	sadd.s32 $0x1100, s0  }
0x86: {  	[spmem:s3] =	stream.indirect.scatter.add.f32 [tilespmem:s23], [sflag:$0x3], $0x80, s2, s18, $0xb8;
	[tilespmem:$0x1F800] =	vst v63  }
0x87: {  	_ =	swait.ge [sflag:s24], $0x2800  }
0x88: {  	[sflag:s24] =	ssyncset.done $0x0  }
0x89: {  	[sflag:s24] =	ssyncadd.s32 $0xFFFFD800  }
0x8a: {  	v1 =	vld [tilespmem:s0+$0x1180];
	_ =	sdelay $0x7  }
0x8b: {  	[tilespmem:v1+s13+$0x0] =	vst.idx.add.f32.msk $0xffff, v0  }
0x8c: {  	v1 =	vld [tilespmem:s0+$0x1190];
	_ =	sdelay $0x7  }
0x8d: {  	[tilespmem:v1+s13+$0x0] =	vst.idx.add.f32.msk $0xffff, v0  }
0x8e: {  	v1 =	vld [tilespmem:s0+$0x11A0];
	_ =	sdelay $0x7  }
0x8f: {  	[tilespmem:v1+s13+$0x0] =	vst.idx.add.f32.msk $0xffff, v0  }
0x90: {  	v1 =	vld [tilespmem:s0+$0x11B0];
	_ =	sdelay $0x7  }
0x91: {  	[tilespmem:v1+s13+$0x0] =	vst.idx.add.f32.msk $0xffff, v0  }
0x92: {  	v1 =	vld [tilespmem:s0+$0x11C0];
	_ =	sdelay $0x7  }
0x93: {  	[tilespmem:v1+s13+$0x0] =	vst.idx.add.f32.msk $0xffff, v0  }
0x94: {  	_ =	swait.ge [sflag:s25], $0x2800  }
0x95: {  	[sflag:s25] =	ssyncset.done $0x0  }
0x96: {  	s2 =	sadd.s32 $0x280, s0;
	[sflag:s25] =	ssyncadd.s32 $0xFFFFD800  }
0x97: {  	[tilespmem:s23], [sflag:$0x2] =	stream.indirect.gather [hbm4b:s1+s18], $0x80, s2, s18, $0xb8;
	[tilespmem:$0x1F800] =	vst v63  }
0x98: {  	s2 =	sadd.s32 $0x1180, s0  }
0x99: {  	[spmem:s3] =	stream.indirect.scatter.add.f32 [tilespmem:s19], [sflag:$0x3], $0x80, s2, s18, $0xb8;
	[tilespmem:$0x1F800] =	vst v63  }
0x9a: {  	_ =	swait.ge [sflag:s24], $0x2800  }
0x9b: {  	[sflag:s24] =	ssyncset.done $0x0  }
0x9c: {  	[sflag:s24] =	ssyncadd.s32 $0xFFFFD800  }
0x9d: {  	v1 =	vld [tilespmem:s0+$0x1200];
	_ =	sdelay $0x7  }
0x9e: {  	[tilespmem:v1+s13+$0x0] =	vst.idx.add.f32.msk $0xffff, v0  }
0x9f: {  	v1 =	vld [tilespmem:s0+$0x1210];
	_ =	sdelay $0x7  }
0xa0: {  	[tilespmem:v1+s13+$0x0] =	vst.idx.add.f32.msk $0xffff, v0  }
0xa1: {  	v1 =	vld [tilespmem:s0+$0x1220];
	_ =	sdelay $0x7  }
0xa2: {  	[tilespmem:v1+s13+$0x0] =	vst.idx.add.f32.msk $0xffff, v0  }
0xa3: {  	v1 =	vld [tilespmem:s0+$0x1230];
	_ =	sdelay $0x7  }
0xa4: {  	[tilespmem:v1+s13+$0x0] =	vst.idx.add.f32.msk $0xffff, v0  }
0xa5: {  	v1 =	vld [tilespmem:s0+$0x1240];
	_ =	sdelay $0x7  }
0xa6: {  	[tilespmem:v1+s13+$0x0] =	vst.idx.add.f32.msk $0xffff, v0  }
0xa7: {  	_ =	swait.ge [sflag:s22], $0x2800  }
0xa8: {  	[sflag:s22] =	ssyncset.done $0x0  }
0xa9: {  	s2 =	sadd.s32 $0x300, s0;
	[sflag:s22] =	ssyncadd.s32 $0xFFFFD800  }
0xaa: {  	[tilespmem:s19], [sflag:$0x1] =	stream.indirect.gather [hbm4b:s1+s18], $0x80, s2, s18, $0xb8;
	[tilespmem:$0x1F800] =	vst v63  }
0xab: {  	s2 =	sadd.s32 $0x1200, s0  }
0xac: {  	[spmem:s3] =	stream.indirect.scatter.add.f32 [tilespmem:s21], [sflag:$0x3], $0x80, s2, s18, $0xb8;
	[tilespmem:$0x1F800] =	vst v63  }
0xad: {  	_ =	swait.ge [sflag:s24], $0x2800  }
0xae: {  	[sflag:s24] =	ssyncset.done $0x0  }
0xaf: {  	[sflag:s24] =	ssyncadd.s32 $0xFFFFD800  }
0xb0: {  	v1 =	vld [tilespmem:s0+$0x1280];
	_ =	sdelay $0x7  }
0xb1: {  	[tilespmem:v1+s13+$0x0] =	vst.idx.add.f32.msk $0xffff, v0  }
0xb2: {  	v1 =	vld [tilespmem:s0+$0x1290];
	_ =	sdelay $0x7  }
0xb3: {  	[tilespmem:v1+s13+$0x0] =	vst.idx.add.f32.msk $0xffff, v0  }
0xb4: {  	v1 =	vld [tilespmem:s0+$0x12A0];
	_ =	sdelay $0x7  }
0xb5: {  	[tilespmem:v1+s13+$0x0] =	vst.idx.add.f32.msk $0xffff, v0  }
0xb6: {  	v1 =	vld [tilespmem:s0+$0x12B0];
	_ =	sdelay $0x7  }
0xb7: {  	[tilespmem:v1+s13+$0x0] =	vst.idx.add.f32.msk $0xffff, v0  }
0xb8: {  	v1 =	vld [tilespmem:s0+$0x12C0];
	_ =	sdelay $0x5  }
0xb9: {  	p0 =	seq.s32 s31, $0x2400  }
.Ltmp4:
0xba: {  	_ = 	snop;
	(pc) =	sbr.rel @p0 .LBB2_5-.Ltmp4, $4  }
0xbb: {  	[tilespmem:v1+s13+$0x0] =	vst.idx.add.f32.msk $0xffff, v0  }
0xbc: {  	_ =	swait.ge [sflag:s25], $0x2800  }
0xbd: {  	[sflag:s25] =	ssyncset.done $0x0  }
0xbe: {  	s2 =	sadd.s32 $0x1280, s0;
	[sflag:s25] =	ssyncadd.s32 $0xFFFFD800  }
.Ltmp5:
0xbf: {  	(pc) =	sbr.rel .LBB2_3-.Ltmp5, $4  }
0xc0: {  	s0 =	sadd.s32 $0x380, s0  }
0xc1: {  	[tilespmem:s21], [sflag:$0x2] =	stream.indirect.gather [hbm4b:s1+s18], $0x80, s0, s18, $0xb8;
	[tilespmem:$0x1F800] =	vst v63  }
0xc2: {  	s31 =	sadd.s32 $0xC00, s31  }
0xc3: {  	[spmem:s3] =	stream.indirect.scatter.add.f32 [tilespmem:s23], [sflag:$0x3], $0x80, s2, s18, $0xb8;
	[tilespmem:$0x1F800] =	vst v63  }
.LBB2_7:
0xc4: {  	_ =	sfence.sel $0x180000  }
0xc5: {  	[bflag:$0x0] =	sbarrier.arrive $0xFFFF  }
0xc6: {  	_ =	strace $0x90000047  }
0xc7: {  	s0 =	stileid.u32;
	[bflag:$0x2] =	sbarrier.arrive $0xFFFF  }
0xc8: {  	p0 =	sne.s32 s0, $0x0;
	s0 =	rddreg [dreg:$0x4]  }
0xc9: {  	s0 =	sadd.s32 @!p0 $0x100000, s0  }
0xca: {  	[sflag:s0] =	ssyncadd.tile.s32 @!p0 $0x1;
	_ =	shalt  }
.Lfunc_end2:
_tile_overlayer_lowered:
.L_overlay_start_2:
0xcb: {  	(tag) =	ssettag $0x2  }
0xcc: {  	s0 =	rddreg [dreg:$0x0];
	s2 =	stileid.u32  }
0xcd: {  	s1 =	rddreg [dreg:$0x1];
	p0 =	sne.s32 s2, $0x0  }
0xce: {  	s3 =	rddreg [dreg:$0x2];
	[bflag:$0x3] =	sbarrier.arrive $0xFFFF;
	s2 =	simm.s32 @!p0 $0x1C04  }
0xcf: {  	[timem:s3], [sflag:s2] =	dma.local @!p0 [hbm:s0], s1  }
0xd0: {  	s0 =	simm.s32 @!p0 $0x4  }
0xd1: {  	_ =	swait.ge @!p0 [sflag:s0], s1  }
0xd2: {  	s1 =	ssub.s32 @!p0 $0x0, s1;
	[sflag:s0] =	ssyncset.done @!p0 $0x0  }
0xd3: {  	[sflag:s0] =	ssyncadd.s32 @!p0 s1  }
0xd4: {  	[bflag:$0x3] =	sbarrier.arrive $0xFFFF  }
0xd5: {  	_ =	shalt  }

</sc_bundles>
